<compile_context>
chip_gen: v7x
topology: tpu7x:2x2x1
jax: 0.10.2.dev20260603
libtpu: 0.0.44.dev20260713+nightly
codegen_flags: <defaults>
</compile_context>

<pallas_src>
import functools

import jax
import jax.numpy as jnp
from jax import lax
from jax.experimental import pallas as pl
from jax.experimental.pallas import tpu as pltpu
from jax.experimental.pallas import tpu_sc as plsc

DIM = 64
B = 16384
LAMBD = 0.1
NW = 32
CHUNK = B // NW
SEG = 128
NSEG = CHUNK // SEG
GROUPS = CHUNK // 16

_mesh = plsc.VectorSubcoreMesh(core_axis_name="c", subcore_axis_name="s",
                               num_cores=2, num_subcores=16)


@functools.partial(
    pl.kernel,
    mesh=_mesh,
    compiler_params=pltpu.CompilerParams(needs_layout_passes=False,
                                         use_tc_tiling_on_sc=False),
    out_type=[
        jax.ShapeDtypeStruct((B,), jnp.float32),
        jax.ShapeDtypeStruct((B,), jnp.float32),
        jax.ShapeDtypeStruct((B,), jnp.float32),
        jax.ShapeDtypeStruct((B,), jnp.float32),
    ],
    scratch_types=[
        pltpu.VMEM((NSEG, SEG), jnp.int32),
        pltpu.VMEM((NSEG, SEG), jnp.int32),
        pltpu.VMEM((CHUNK, DIM), jnp.float32),
        pltpu.VMEM((CHUNK, DIM), jnp.float32),
        pltpu.VMEM((CHUNK,), jnp.float32),
        pltpu.VMEM((CHUNK,), jnp.float32),
        pltpu.VMEM((CHUNK,), jnp.float32),
        pltpu.SemaphoreType.DMA,
    ],
)
def _sc_gather_dot(src_hbm, ctx_hbm, pure_hbm, per_hbm,
                   node_hbm, noise_hbm, base_hbm,
                   s_out, na_out, nb_out, r_out,
                   idx_a, idx_b, rows_a, rows_b, s_v, na_v, nb_v, sem):
    wid = lax.axis_index("s") * 2 + lax.axis_index("c")
    base = wid * CHUNK

    def gather_pair(tab_a, tab_b):
        handles = []
        for k in range(NSEG):
            handles.append(pltpu.async_copy(
                tab_a.at[idx_a.at[k]], rows_a.at[pl.ds(k * SEG, SEG)], sem))
            handles.append(pltpu.async_copy(
                tab_b.at[idx_b.at[k]], rows_b.at[pl.ds(k * SEG, SEG)], sem))
        for h in handles:
            h.wait()

    zero = jnp.zeros((16,), jnp.float32)

    pltpu.sync_copy(src_hbm.at[wid], idx_a)
    pltpu.sync_copy(ctx_hbm.at[wid], idx_b)
    gather_pair(node_hbm, noise_hbm)

    def main_group(g, _):
        rows = g * 16 + lax.iota(jnp.int32, 16)

        def col(q, acc):
            s, na, nb = acc
            for u in range(4):
                cols = jnp.full((16,), 0, jnp.int32) + (q * 4 + u)
                a = plsc.load_gather(rows_a, [rows, cols])
                b = plsc.load_gather(rows_b, [rows, cols])
                s, na, nb = s + a * b, na + a * a, nb + b * b
            return (s, na, nb)

        s, na, nb = lax.fori_loop(0, DIM // 4, col, (zero, zero, zero))
        s_v[pl.ds(g * 16, 16)] = s
        na_v[pl.ds(g * 16, 16)] = na
        nb_v[pl.ds(g * 16, 16)] = nb
        return 0

    lax.fori_loop(0, GROUPS, main_group, 0)
    pltpu.sync_copy(s_v, s_out.at[pl.ds(base, CHUNK)])
    pltpu.sync_copy(na_v, na_out.at[pl.ds(base, CHUNK)])
    pltpu.sync_copy(nb_v, nb_out.at[pl.ds(base, CHUNK)])

    pltpu.sync_copy(pure_hbm.at[wid], idx_a)
    pltpu.sync_copy(per_hbm.at[wid], idx_b)
    gather_pair(node_hbm, base_hbm)

    def reg_group(g, _):
        rows = g * 16 + lax.iota(jnp.int32, 16)

        def col(q, s):
            for u in range(4):
                cols = jnp.full((16,), 0, jnp.int32) + (q * 4 + u)
                a = plsc.load_gather(rows_a, [rows, cols])
                b = plsc.load_gather(rows_b, [rows, cols])
                s = s + a * b
            return s

        s = lax.fori_loop(0, DIM // 4, col, zero)
        s_v[pl.ds(g * 16, 16)] = s
        return 0

    lax.fori_loop(0, GROUPS, reg_group, 0)
    pltpu.sync_copy(s_v, r_out.at[pl.ds(base, CHUNK)])


def _finish_body(t_ref, s_ref, na_ref, nb_ref, r_ref, o_ref):
    na = jnp.maximum(jnp.sqrt(na_ref[...]), 1e-12)
    nb = jnp.maximum(jnp.sqrt(nb_ref[...]), 1e-12)
    scores = jax.nn.sigmoid(s_ref[...] / (na * nb))
    t = t_ref[...]
    main = t * jnp.log(scores) + (1.0 - t) * jnp.log(1.0 - scores)
    main_loss = -jnp.mean(main)
    r = jax.nn.sigmoid(jnp.clip(r_ref[...], -15.0, 15.0))
    reg_loss = -jnp.mean(jnp.log(r))
    o_ref[...] = jnp.reshape(main_loss + LAMBD * reg_loss, (1, 1))


_finish = pl.pallas_call(
    _finish_body,
    out_shape=jax.ShapeDtypeStruct((1, 1), jnp.float32),
)


@jax.jit
def kernel(sources, contexts, targets, personas, pure_sources,
           node_embedding, node_noise_embedding, base_node_embedding):
    src = sources.astype(jnp.int32).reshape(NW, NSEG, SEG)
    ctx = contexts.astype(jnp.int32).reshape(NW, NSEG, SEG)
    pure = pure_sources.astype(jnp.int32).reshape(NW, NSEG, SEG)
    per = personas.astype(jnp.int32).reshape(NW, NSEG, SEG)
    s, na, nb, r = _sc_gather_dot(src, ctx, pure, per,
                                  node_embedding, node_noise_embedding,
                                  base_node_embedding)
    out = _finish(targets.reshape(128, 128), s.reshape(128, 128),
                  na.reshape(128, 128), nb.reshape(128, 128),
                  r.reshape(128, 128))
    return out.reshape(())

# --- scband reference (transcript-rebuilt; emitter-appended) ---
"""Pipeline reference for scband-splitter-7430293422716 (READ-ONLY COPY).

The authoritative reference and input builder live on the scoring server;
editing this copy changes nothing except your own understanding.
"""

import jax, jax.numpy as jnp
import numpy as np

DIM = 64
NODE_COUNT = 1000000
BASE_NODE_COUNT = 100000
B = 16384
LAMBD = 0.1


def _l2_normalize(x):
    # torch.nn.functional.normalize(p=2, dim=1, eps=1e-12)
    n = jnp.linalg.norm(x, ord=2, axis=1, keepdims=True)
    return x / jnp.maximum(n, 1e-12)


def setup_inputs(seed: int = 0) -> dict:
    key = jax.random.key(seed)
    ks = jax.random.split(key, 8)
    sources = jax.random.randint(ks[0], (B,), 0, NODE_COUNT, dtype=jnp.int64 if jax.config.jax_enable_x64 else jnp.int32)
    contexts = jax.random.randint(ks[1], (B,), 0, NODE_COUNT, dtype=sources.dtype)
    targets = jax.random.uniform(ks[2], (B,), dtype=jnp.float32)
    personas = jax.random.randint(ks[3], (B,), 0, BASE_NODE_COUNT, dtype=sources.dtype)
    pure_sources = jax.random.randint(ks[4], (B,), 0, NODE_COUNT, dtype=sources.dtype)
    # learned parameters (create_weights): three embedding tables, padding_idx=0 -> row 0 zeroed
    node_embedding = (jax.random.normal(ks[5], (NODE_COUNT, DIM), dtype=jnp.float32) * 0.1).at[0].set(0.0)
    node_noise_embedding = (jax.random.normal(ks[6], (NODE_COUNT, DIM), dtype=jnp.float32) * 0.1).at[0].set(0.0)
    base_node_embedding = (jax.random.normal(ks[7], (BASE_NODE_COUNT, DIM), dtype=jnp.float32) * 0.1).at[0].set(0.0)
    return {
        "sources": sources,
        "contexts": contexts,
        "targets": targets,
        "personas": personas,
        "pure_sources": pure_sources,
        "node_embedding": node_embedding,
        "node_noise_embedding": node_noise_embedding,
        "base_node_embedding": base_node_embedding,
    }


def reference(sources, contexts, targets, personas, pure_sources,
              node_embedding, node_noise_embedding, base_node_embedding):
    # main loss
    node_f = jnp.take(node_embedding, sources, axis=0)
    node_f = _l2_normalize(node_f)
    feature_f = jnp.take(node_noise_embedding, contexts, axis=0)
    feature_f = _l2_normalize(feature_f)
    scores = jnp.sum(node_f * feature_f, axis=1)
    scores = jax.nn.sigmoid(scores)
    main_loss = targets * jnp.log(scores) + (1.0 - targets) * jnp.log(1.0 - scores)
    main_loss = -jnp.mean(main_loss)
    # regularization loss
    source_f = jnp.take(node_embedding, pure_sources, axis=0)
    original_f = jnp.take(base_node_embedding, personas, axis=0)
    r_scores = jnp.clip(jnp.sum(source_f * original_f, axis=1), -15.0, 15.0)
    r_scores = jax.nn.sigmoid(r_scores)
    regularization_loss = -jnp.mean(jnp.log(r_scores))
    loss = main_loss + LAMBD * regularization_loss
    return loss


if False:  # reference __main__ guard neutralized (emitter)
    out = reference(**setup_inputs())
    print(out)

if __name__ == "__main__":
    import jax
    _d = setup_inputs()
    print(jax.jit(kernel)(*tuple(_d.values())))

</pallas_src>

<mosaic_0001>
#map = affine_map<(d0, d1) -> (0, 0, 0)>
#map1 = affine_map<(d0, d1) -> (0, 0)>
#map2 = affine_map<(d0, d1) -> (0)>
module attributes {stable_mosaic.version = 14 : i64} {
  func.func @_sc_gather_dot(%arg0: i32, %arg1: i32, %arg2: memref<32x4x128xi32, #tpu.memory_space<hbm>>, %arg3: memref<32x4x128xi32, #tpu.memory_space<hbm>>, %arg4: memref<32x4x128xi32, #tpu.memory_space<hbm>>, %arg5: memref<32x4x128xi32, #tpu.memory_space<hbm>>, %arg6: memref<1000000x64xf32, #tpu.memory_space<hbm>>, %arg7: memref<1000000x64xf32, #tpu.memory_space<hbm>>, %arg8: memref<100000x64xf32, #tpu.memory_space<hbm>>, %arg9: memref<16384xf32, #tpu.memory_space<hbm>>, %arg10: memref<16384xf32, #tpu.memory_space<hbm>>, %arg11: memref<16384xf32, #tpu.memory_space<hbm>>, %arg12: memref<16384xf32, #tpu.memory_space<hbm>>, %arg13: memref<4x128xi32, #tpu.memory_space<vmem>>, %arg14: memref<4x128xi32, #tpu.memory_space<vmem>>, %arg15: memref<512x64xf32, #tpu.memory_space<vmem>>, %arg16: memref<512x64xf32, #tpu.memory_space<vmem>>, %arg17: memref<512xf32, #tpu.memory_space<vmem>>, %arg18: memref<512xf32, #tpu.memory_space<vmem>>, %arg19: memref<512xf32, #tpu.memory_space<vmem>>, %arg20: memref<!tpu.dma_semaphore, #tpu.memory_space<semaphore_mem>>) attributes {dimension_semantics = [#tpu.dimension_semantics<core_parallel>, #tpu.dimension_semantics<subcore_parallel>], iteration_bounds = array<i64: 2, 16>, scalar_prefetch = 0 : i64, scratch_operands = 8 : i64, tpu.core_type = #tpu.core_type<sc_vector_subcore>, window_params = [{transform_indices = #map}, {transform_indices = #map}, {transform_indices = #map}, {transform_indices = #map}, {transform_indices = #map1}, {transform_indices = #map1}, {transform_indices = #map1}, {transform_indices = #map2}, {transform_indices = #map2}, {transform_indices = #map2}, {transform_indices = #map2}]} {
    %mul3A = arith.constant 2 : i32
    %mul3A_0 = arith.muli %arg1, %mul3A : i32
    %add3A = arith.addi %mul3A_0, %arg0 : i32
    %mul3A_1 = arith.constant 512 : i32
    %mul3A_2 = arith.muli %add3A, %mul3A_1 : i32
    %broadcast_in_dim3A = arith.constant 0.000000e+00 : f32
    %broadcast_in_dim3A_3 = vector.broadcast %broadcast_in_dim3A : f32 to vector<16xf32>
    "tpu.region"() ({
      %run_scoped3A = tpu.sem_alloc : memref<!tpu.dma_semaphore, #tpu.memory_space<semaphore_mem>>
      %dma_start3A_335 = arith.constant 0 : i32
      %dma_start3A_336 = arith.constant 0 : i32
      %dma_start3A_337 = tpu.memref_slice %arg2[%add3A, %dma_start3A_335, %dma_start3A_336] : memref<32x4x128xi32, #tpu.memory_space<hbm>> -> memref<1x4x128xi32, #tpu.memory_space<hbm>>
      %dma_start3A_338 = tpu.memref_squeeze %dma_start3A_337 : memref<1x4x128xi32, #tpu.memory_space<hbm>> -> memref<4x128xi32, #tpu.memory_space<hbm>>
      %dma_start3A_339 = arith.constant 0 : i32
      %dma_start3A_340 = arith.constant 0 : i32
      %dma_start3A_341 = tpu.memref_slice %arg2[%add3A, %dma_start3A_339, %dma_start3A_340] : memref<32x4x128xi32, #tpu.memory_space<hbm>> -> memref<1x4x128xi32, #tpu.memory_space<hbm>>
      %dma_start3A_342 = tpu.memref_squeeze %dma_start3A_341 : memref<1x4x128xi32, #tpu.memory_space<hbm>> -> memref<4x128xi32, #tpu.memory_space<hbm>>
      tpu.enqueue_dma source(%dma_start3A_342 : memref<4x128xi32, #tpu.memory_space<hbm>>) target(%arg13 : memref<4x128xi32, #tpu.memory_space<vmem>>) target_semaphore(%run_scoped3A : memref<!tpu.dma_semaphore, #tpu.memory_space<semaphore_mem>>)
      %dma_wait3A_343 = arith.constant 0 : i32
      %dma_wait3A_344 = arith.constant 0 : i32
      %dma_wait3A_345 = tpu.memref_slice %arg2[%add3A, %dma_wait3A_343, %dma_wait3A_344] : memref<32x4x128xi32, #tpu.memory_space<hbm>> -> memref<1x4x128xi32, #tpu.memory_space<hbm>>
      %dma_wait3A_346 = tpu.memref_squeeze %dma_wait3A_345 : memref<1x4x128xi32, #tpu.memory_space<hbm>> -> memref<4x128xi32, #tpu.memory_space<hbm>>
      %dma_wait3A_347 = arith.constant 0 : i32
      %dma_wait3A_348 = arith.constant 0 : i32
      %dma_wait3A_349 = tpu.memref_slice %arg2[%add3A, %dma_wait3A_347, %dma_wait3A_348] : memref<32x4x128xi32, #tpu.memory_space<hbm>> -> memref<1x4x128xi32, #tpu.memory_space<hbm>>
      %dma_wait3A_350 = tpu.memref_squeeze %dma_wait3A_349 : memref<1x4x128xi32, #tpu.memory_space<hbm>> -> memref<4x128xi32, #tpu.memory_space<hbm>>
      tpu.wait_dma2 semaphore(%run_scoped3A : memref<!tpu.dma_semaphore, #tpu.memory_space<semaphore_mem>>) src(%dma_wait3A_350 : memref<4x128xi32, #tpu.memory_space<hbm>>) dst(%arg13 : memref<4x128xi32, #tpu.memory_space<vmem>>)
      tpu.yield
    }) : () -> ()
    "tpu.region"() ({
      %run_scoped3A = tpu.sem_alloc : memref<!tpu.dma_semaphore, #tpu.memory_space<semaphore_mem>>
      %dma_start3A_335 = arith.constant 0 : i32
      %dma_start3A_336 = arith.constant 0 : i32
      %dma_start3A_337 = tpu.memref_slice %arg3[%add3A, %dma_start3A_335, %dma_start3A_336] : memref<32x4x128xi32, #tpu.memory_space<hbm>> -> memref<1x4x128xi32, #tpu.memory_space<hbm>>
      %dma_start3A_338 = tpu.memref_squeeze %dma_start3A_337 : memref<1x4x128xi32, #tpu.memory_space<hbm>> -> memref<4x128xi32, #tpu.memory_space<hbm>>
      %dma_start3A_339 = arith.constant 0 : i32
      %dma_start3A_340 = arith.constant 0 : i32
      %dma_start3A_341 = tpu.memref_slice %arg3[%add3A, %dma_start3A_339, %dma_start3A_340] : memref<32x4x128xi32, #tpu.memory_space<hbm>> -> memref<1x4x128xi32, #tpu.memory_space<hbm>>
      %dma_start3A_342 = tpu.memref_squeeze %dma_start3A_341 : memref<1x4x128xi32, #tpu.memory_space<hbm>> -> memref<4x128xi32, #tpu.memory_space<hbm>>
      tpu.enqueue_dma source(%dma_start3A_342 : memref<4x128xi32, #tpu.memory_space<hbm>>) target(%arg14 : memref<4x128xi32, #tpu.memory_space<vmem>>) target_semaphore(%run_scoped3A : memref<!tpu.dma_semaphore, #tpu.memory_space<semaphore_mem>>)
      %dma_wait3A_343 = arith.constant 0 : i32
      %dma_wait3A_344 = arith.constant 0 : i32
      %dma_wait3A_345 = tpu.memref_slice %arg3[%add3A, %dma_wait3A_343, %dma_wait3A_344] : memref<32x4x128xi32, #tpu.memory_space<hbm>> -> memref<1x4x128xi32, #tpu.memory_space<hbm>>
      %dma_wait3A_346 = tpu.memref_squeeze %dma_wait3A_345 : memref<1x4x128xi32, #tpu.memory_space<hbm>> -> memref<4x128xi32, #tpu.memory_space<hbm>>
      %dma_wait3A_347 = arith.constant 0 : i32
      %dma_wait3A_348 = arith.constant 0 : i32
      %dma_wait3A_349 = tpu.memref_slice %arg3[%add3A, %dma_wait3A_347, %dma_wait3A_348] : memref<32x4x128xi32, #tpu.memory_space<hbm>> -> memref<1x4x128xi32, #tpu.memory_space<hbm>>
      %dma_wait3A_350 = tpu.memref_squeeze %dma_wait3A_349 : memref<1x4x128xi32, #tpu.memory_space<hbm>> -> memref<4x128xi32, #tpu.memory_space<hbm>>
      tpu.wait_dma2 semaphore(%run_scoped3A : memref<!tpu.dma_semaphore, #tpu.memory_space<semaphore_mem>>) src(%dma_wait3A_350 : memref<4x128xi32, #tpu.memory_space<hbm>>) dst(%arg14 : memref<4x128xi32, #tpu.memory_space<vmem>>)
      tpu.yield
    }) : () -> ()
    %dma_start3A = arith.constant 0 : i32
    %dma_start3A_4 = arith.constant 0 : i32
    %dma_start3A_5 = arith.constant 0 : i32
    %dma_start3A_6 = tpu.memref_slice %arg15[%dma_start3A_4, %dma_start3A_5] : memref<512x64xf32, #tpu.memory_space<vmem>> -> memref<128x64xf32, #tpu.memory_space<vmem>>
    %dma_start3A_7 = arith.constant 0 : i32
    %dma_start3A_8 = tpu.memref_slice %arg13[%dma_start3A, %dma_start3A_7] : memref<4x128xi32, #tpu.memory_space<vmem>> -> memref<1x128xi32, #tpu.memory_space<vmem>>
    %dma_start3A_9 = tpu.memref_squeeze %dma_start3A_8 : memref<1x128xi32, #tpu.memory_space<vmem>> -> memref<128xi32, #tpu.memory_space<vmem>>
    %dma_start3A_10 = arith.constant 0 : i32
    %dma_start3A_11 = arith.constant 0 : i32
    %dma_start3A_12 = tpu.memref_slice %arg6[%dma_start3A_10, %dma_start3A_11] : memref<1000000x64xf32, #tpu.memory_space<hbm>> -> memref<1000000x64xf32, #tpu.memory_space<hbm>>
    tpu.enqueue_indirect_dma source(%dma_start3A_12 : memref<1000000x64xf32, #tpu.memory_space<hbm>>) target(%dma_start3A_6 : memref<128x64xf32, #tpu.memory_space<vmem>>) offsets(%dma_start3A_9 : memref<128xi32, #tpu.memory_space<vmem>>) semaphore(%arg20 : memref<!tpu.dma_semaphore, #tpu.memory_space<semaphore_mem>>)
    %dma_start3A_13 = arith.constant 0 : i32
    %dma_start3A_14 = arith.constant 0 : i32
    %dma_start3A_15 = arith.constant 0 : i32
    %dma_start3A_16 = tpu.memref_slice %arg16[%dma_start3A_14, %dma_start3A_15] : memref<512x64xf32, #tpu.memory_space<vmem>> -> memref<128x64xf32, #tpu.memory_space<vmem>>
    %dma_start3A_17 = arith.constant 0 : i32
    %dma_start3A_18 = tpu.memref_slice %arg14[%dma_start3A_13, %dma_start3A_17] : memref<4x128xi32, #tpu.memory_space<vmem>> -> memref<1x128xi32, #tpu.memory_space<vmem>>
    %dma_start3A_19 = tpu.memref_squeeze %dma_start3A_18 : memref<1x128xi32, #tpu.memory_space<vmem>> -> memref<128xi32, #tpu.memory_space<vmem>>
    %dma_start3A_20 = arith.constant 0 : i32
    %dma_start3A_21 = arith.constant 0 : i32
    %dma_start3A_22 = tpu.memref_slice %arg7[%dma_start3A_20, %dma_start3A_21] : memref<1000000x64xf32, #tpu.memory_space<hbm>> -> memref<1000000x64xf32, #tpu.memory_space<hbm>>
    tpu.enqueue_indirect_dma source(%dma_start3A_22 : memref<1000000x64xf32, #tpu.memory_space<hbm>>) target(%dma_start3A_16 : memref<128x64xf32, #tpu.memory_space<vmem>>) offsets(%dma_start3A_19 : memref<128xi32, #tpu.memory_space<vmem>>) semaphore(%arg20 : memref<!tpu.dma_semaphore, #tpu.memory_space<semaphore_mem>>)
    %dma_start3A_23 = arith.constant 1 : i32
    %dma_start3A_24 = arith.constant 128 : i32
    %dma_start3A_25 = arith.constant 0 : i32
    %dma_start3A_26 = tpu.memref_slice %arg15[%dma_start3A_24, %dma_start3A_25] : memref<512x64xf32, #tpu.memory_space<vmem>> -> memref<128x64xf32, #tpu.memory_space<vmem>>
    %dma_start3A_27 = arith.constant 0 : i32
    %dma_start3A_28 = tpu.memref_slice %arg13[%dma_start3A_23, %dma_start3A_27] : memref<4x128xi32, #tpu.memory_space<vmem>> -> memref<1x128xi32, #tpu.memory_space<vmem>>
    %dma_start3A_29 = tpu.memref_squeeze %dma_start3A_28 : memref<1x128xi32, #tpu.memory_space<vmem>> -> memref<128xi32, #tpu.memory_space<vmem>>
    %dma_start3A_30 = arith.constant 0 : i32
    %dma_start3A_31 = arith.constant 0 : i32
    %dma_start3A_32 = tpu.memref_slice %arg6[%dma_start3A_30, %dma_start3A_31] : memref<1000000x64xf32, #tpu.memory_space<hbm>> -> memref<1000000x64xf32, #tpu.memory_space<hbm>>
    tpu.enqueue_indirect_dma source(%dma_start3A_32 : memref<1000000x64xf32, #tpu.memory_space<hbm>>) target(%dma_start3A_26 : memref<128x64xf32, #tpu.memory_space<vmem>>) offsets(%dma_start3A_29 : memref<128xi32, #tpu.memory_space<vmem>>) semaphore(%arg20 : memref<!tpu.dma_semaphore, #tpu.memory_space<semaphore_mem>>)
    %dma_start3A_33 = arith.constant 1 : i32
    %dma_start3A_34 = arith.constant 128 : i32
    %dma_start3A_35 = arith.constant 0 : i32
    %dma_start3A_36 = tpu.memref_slice %arg16[%dma_start3A_34, %dma_start3A_35] : memref<512x64xf32, #tpu.memory_space<vmem>> -> memref<128x64xf32, #tpu.memory_space<vmem>>
    %dma_start3A_37 = arith.constant 0 : i32
    %dma_start3A_38 = tpu.memref_slice %arg14[%dma_start3A_33, %dma_start3A_37] : memref<4x128xi32, #tpu.memory_space<vmem>> -> memref<1x128xi32, #tpu.memory_space<vmem>>
    %dma_start3A_39 = tpu.memref_squeeze %dma_start3A_38 : memref<1x128xi32, #tpu.memory_space<vmem>> -> memref<128xi32, #tpu.memory_space<vmem>>
    %dma_start3A_40 = arith.constant 0 : i32
    %dma_start3A_41 = arith.constant 0 : i32
    %dma_start3A_42 = tpu.memref_slice %arg7[%dma_start3A_40, %dma_start3A_41] : memref<1000000x64xf32, #tpu.memory_space<hbm>> -> memref<1000000x64xf32, #tpu.memory_space<hbm>>
    tpu.enqueue_indirect_dma source(%dma_start3A_42 : memref<1000000x64xf32, #tpu.memory_space<hbm>>) target(%dma_start3A_36 : memref<128x64xf32, #tpu.memory_space<vmem>>) offsets(%dma_start3A_39 : memref<128xi32, #tpu.memory_space<vmem>>) semaphore(%arg20 : memref<!tpu.dma_semaphore, #tpu.memory_space<semaphore_mem>>)
    %dma_start3A_43 = arith.constant 2 : i32
    %dma_start3A_44 = arith.constant 256 : i32
    %dma_start3A_45 = arith.constant 0 : i32
    %dma_start3A_46 = tpu.memref_slice %arg15[%dma_start3A_44, %dma_start3A_45] : memref<512x64xf32, #tpu.memory_space<vmem>> -> memref<128x64xf32, #tpu.memory_space<vmem>>
    %dma_start3A_47 = arith.constant 0 : i32
    %dma_start3A_48 = tpu.memref_slice %arg13[%dma_start3A_43, %dma_start3A_47] : memref<4x128xi32, #tpu.memory_space<vmem>> -> memref<1x128xi32, #tpu.memory_space<vmem>>
    %dma_start3A_49 = tpu.memref_squeeze %dma_start3A_48 : memref<1x128xi32, #tpu.memory_space<vmem>> -> memref<128xi32, #tpu.memory_space<vmem>>
    %dma_start3A_50 = arith.constant 0 : i32
    %dma_start3A_51 = arith.constant 0 : i32
    %dma_start3A_52 = tpu.memref_slice %arg6[%dma_start3A_50, %dma_start3A_51] : memref<1000000x64xf32, #tpu.memory_space<hbm>> -> memref<1000000x64xf32, #tpu.memory_space<hbm>>
    tpu.enqueue_indirect_dma source(%dma_start3A_52 : memref<1000000x64xf32, #tpu.memory_space<hbm>>) target(%dma_start3A_46 : memref<128x64xf32, #tpu.memory_space<vmem>>) offsets(%dma_start3A_49 : memref<128xi32, #tpu.memory_space<vmem>>) semaphore(%arg20 : memref<!tpu.dma_semaphore, #tpu.memory_space<semaphore_mem>>)
    %dma_start3A_53 = arith.constant 2 : i32
    %dma_start3A_54 = arith.constant 256 : i32
    %dma_start3A_55 = arith.constant 0 : i32
    %dma_start3A_56 = tpu.memref_slice %arg16[%dma_start3A_54, %dma_start3A_55] : memref<512x64xf32, #tpu.memory_space<vmem>> -> memref<128x64xf32, #tpu.memory_space<vmem>>
    %dma_start3A_57 = arith.constant 0 : i32
    %dma_start3A_58 = tpu.memref_slice %arg14[%dma_start3A_53, %dma_start3A_57] : memref<4x128xi32, #tpu.memory_space<vmem>> -> memref<1x128xi32, #tpu.memory_space<vmem>>
    %dma_start3A_59 = tpu.memref_squeeze %dma_start3A_58 : memref<1x128xi32, #tpu.memory_space<vmem>> -> memref<128xi32, #tpu.memory_space<vmem>>
    %dma_start3A_60 = arith.constant 0 : i32
    %dma_start3A_61 = arith.constant 0 : i32
    %dma_start3A_62 = tpu.memref_slice %arg7[%dma_start3A_60, %dma_start3A_61] : memref<1000000x64xf32, #tpu.memory_space<hbm>> -> memref<1000000x64xf32, #tpu.memory_space<hbm>>
    tpu.enqueue_indirect_dma source(%dma_start3A_62 : memref<1000000x64xf32, #tpu.memory_space<hbm>>) target(%dma_start3A_56 : memref<128x64xf32, #tpu.memory_space<vmem>>) offsets(%dma_start3A_59 : memref<128xi32, #tpu.memory_space<vmem>>) semaphore(%arg20 : memref<!tpu.dma_semaphore, #tpu.memory_space<semaphore_mem>>)
    %dma_start3A_63 = arith.constant 3 : i32
    %dma_start3A_64 = arith.constant 384 : i32
    %dma_start3A_65 = arith.constant 0 : i32
    %dma_start3A_66 = tpu.memref_slice %arg15[%dma_start3A_64, %dma_start3A_65] : memref<512x64xf32, #tpu.memory_space<vmem>> -> memref<128x64xf32, #tpu.memory_space<vmem>>
    %dma_start3A_67 = arith.constant 0 : i32
    %dma_start3A_68 = tpu.memref_slice %arg13[%dma_start3A_63, %dma_start3A_67] : memref<4x128xi32, #tpu.memory_space<vmem>> -> memref<1x128xi32, #tpu.memory_space<vmem>>
    %dma_start3A_69 = tpu.memref_squeeze %dma_start3A_68 : memref<1x128xi32, #tpu.memory_space<vmem>> -> memref<128xi32, #tpu.memory_space<vmem>>
    %dma_start3A_70 = arith.constant 0 : i32
    %dma_start3A_71 = arith.constant 0 : i32
    %dma_start3A_72 = tpu.memref_slice %arg6[%dma_start3A_70, %dma_start3A_71] : memref<1000000x64xf32, #tpu.memory_space<hbm>> -> memref<1000000x64xf32, #tpu.memory_space<hbm>>
    tpu.enqueue_indirect_dma source(%dma_start3A_72 : memref<1000000x64xf32, #tpu.memory_space<hbm>>) target(%dma_start3A_66 : memref<128x64xf32, #tpu.memory_space<vmem>>) offsets(%dma_start3A_69 : memref<128xi32, #tpu.memory_space<vmem>>) semaphore(%arg20 : memref<!tpu.dma_semaphore, #tpu.memory_space<semaphore_mem>>)
    %dma_start3A_73 = arith.constant 3 : i32
    %dma_start3A_74 = arith.constant 384 : i32
    %dma_start3A_75 = arith.constant 0 : i32
    %dma_start3A_76 = tpu.memref_slice %arg16[%dma_start3A_74, %dma_start3A_75] : memref<512x64xf32, #tpu.memory_space<vmem>> -> memref<128x64xf32, #tpu.memory_space<vmem>>
    %dma_start3A_77 = arith.constant 0 : i32
    %dma_start3A_78 = tpu.memref_slice %arg14[%dma_start3A_73, %dma_start3A_77] : memref<4x128xi32, #tpu.memory_space<vmem>> -> memref<1x128xi32, #tpu.memory_space<vmem>>
    %dma_start3A_79 = tpu.memref_squeeze %dma_start3A_78 : memref<1x128xi32, #tpu.memory_space<vmem>> -> memref<128xi32, #tpu.memory_space<vmem>>
    %dma_start3A_80 = arith.constant 0 : i32
    %dma_start3A_81 = arith.constant 0 : i32
    %dma_start3A_82 = tpu.memref_slice %arg7[%dma_start3A_80, %dma_start3A_81] : memref<1000000x64xf32, #tpu.memory_space<hbm>> -> memref<1000000x64xf32, #tpu.memory_space<hbm>>
    tpu.enqueue_indirect_dma source(%dma_start3A_82 : memref<1000000x64xf32, #tpu.memory_space<hbm>>) target(%dma_start3A_76 : memref<128x64xf32, #tpu.memory_space<vmem>>) offsets(%dma_start3A_79 : memref<128xi32, #tpu.memory_space<vmem>>) semaphore(%arg20 : memref<!tpu.dma_semaphore, #tpu.memory_space<semaphore_mem>>)
    %dma_wait3A = arith.constant 0 : i32
    %dma_wait3A_83 = arith.constant 0 : i32
    %dma_wait3A_84 = arith.constant 0 : i32
    %dma_wait3A_85 = tpu.memref_slice %arg15[%dma_wait3A_83, %dma_wait3A_84] : memref<512x64xf32, #tpu.memory_space<vmem>> -> memref<128x64xf32, #tpu.memory_space<vmem>>
    %dma_wait3A_86 = arith.constant 0 : i32
    %dma_wait3A_87 = tpu.memref_slice %arg13[%dma_wait3A, %dma_wait3A_86] : memref<4x128xi32, #tpu.memory_space<vmem>> -> memref<1x128xi32, #tpu.memory_space<vmem>>
    %dma_wait3A_88 = tpu.memref_squeeze %dma_wait3A_87 : memref<1x128xi32, #tpu.memory_space<vmem>> -> memref<128xi32, #tpu.memory_space<vmem>>
    %dma_wait3A_89 = arith.constant 0 : i32
    %dma_wait3A_90 = arith.constant 0 : i32
    %dma_wait3A_91 = tpu.memref_slice %arg6[%dma_wait3A_89, %dma_wait3A_90] : memref<1000000x64xf32, #tpu.memory_space<hbm>> -> memref<1000000x64xf32, #tpu.memory_space<hbm>>
    tpu.wait_indirect_dma semaphore(%arg20 : memref<!tpu.dma_semaphore, #tpu.memory_space<semaphore_mem>>) src(%dma_wait3A_91 : memref<1000000x64xf32, #tpu.memory_space<hbm>>) dst(%dma_wait3A_85 : memref<128x64xf32, #tpu.memory_space<vmem>>)
    %dma_wait3A_92 = arith.constant 0 : i32
    %dma_wait3A_93 = arith.constant 0 : i32
    %dma_wait3A_94 = arith.constant 0 : i32
    %dma_wait3A_95 = tpu.memref_slice %arg16[%dma_wait3A_93, %dma_wait3A_94] : memref<512x64xf32, #tpu.memory_space<vmem>> -> memref<128x64xf32, #tpu.memory_space<vmem>>
    %dma_wait3A_96 = arith.constant 0 : i32
    %dma_wait3A_97 = tpu.memref_slice %arg14[%dma_wait3A_92, %dma_wait3A_96] : memref<4x128xi32, #tpu.memory_space<vmem>> -> memref<1x128xi32, #tpu.memory_space<vmem>>
    %dma_wait3A_98 = tpu.memref_squeeze %dma_wait3A_97 : memref<1x128xi32, #tpu.memory_space<vmem>> -> memref<128xi32, #tpu.memory_space<vmem>>
    %dma_wait3A_99 = arith.constant 0 : i32
    %dma_wait3A_100 = arith.constant 0 : i32
    %dma_wait3A_101 = tpu.memref_slice %arg7[%dma_wait3A_99, %dma_wait3A_100] : memref<1000000x64xf32, #tpu.memory_space<hbm>> -> memref<1000000x64xf32, #tpu.memory_space<hbm>>
    tpu.wait_indirect_dma semaphore(%arg20 : memref<!tpu.dma_semaphore, #tpu.memory_space<semaphore_mem>>) src(%dma_wait3A_101 : memref<1000000x64xf32, #tpu.memory_space<hbm>>) dst(%dma_wait3A_95 : memref<128x64xf32, #tpu.memory_space<vmem>>)
    %dma_wait3A_102 = arith.constant 1 : i32
    %dma_wait3A_103 = arith.constant 128 : i32
    %dma_wait3A_104 = arith.constant 0 : i32
    %dma_wait3A_105 = tpu.memref_slice %arg15[%dma_wait3A_103, %dma_wait3A_104] : memref<512x64xf32, #tpu.memory_space<vmem>> -> memref<128x64xf32, #tpu.memory_space<vmem>>
    %dma_wait3A_106 = arith.constant 0 : i32
    %dma_wait3A_107 = tpu.memref_slice %arg13[%dma_wait3A_102, %dma_wait3A_106] : memref<4x128xi32, #tpu.memory_space<vmem>> -> memref<1x128xi32, #tpu.memory_space<vmem>>
    %dma_wait3A_108 = tpu.memref_squeeze %dma_wait3A_107 : memref<1x128xi32, #tpu.memory_space<vmem>> -> memref<128xi32, #tpu.memory_space<vmem>>
    %dma_wait3A_109 = arith.constant 0 : i32
    %dma_wait3A_110 = arith.constant 0 : i32
    %dma_wait3A_111 = tpu.memref_slice %arg6[%dma_wait3A_109, %dma_wait3A_110] : memref<1000000x64xf32, #tpu.memory_space<hbm>> -> memref<1000000x64xf32, #tpu.memory_space<hbm>>
    tpu.wait_indirect_dma semaphore(%arg20 : memref<!tpu.dma_semaphore, #tpu.memory_space<semaphore_mem>>) src(%dma_wait3A_111 : memref<1000000x64xf32, #tpu.memory_space<hbm>>) dst(%dma_wait3A_105 : memref<128x64xf32, #tpu.memory_space<vmem>>)
    %dma_wait3A_112 = arith.constant 1 : i32
    %dma_wait3A_113 = arith.constant 128 : i32
    %dma_wait3A_114 = arith.constant 0 : i32
    %dma_wait3A_115 = tpu.memref_slice %arg16[%dma_wait3A_113, %dma_wait3A_114] : memref<512x64xf32, #tpu.memory_space<vmem>> -> memref<128x64xf32, #tpu.memory_space<vmem>>
    %dma_wait3A_116 = arith.constant 0 : i32
    %dma_wait3A_117 = tpu.memref_slice %arg14[%dma_wait3A_112, %dma_wait3A_116] : memref<4x128xi32, #tpu.memory_space<vmem>> -> memref<1x128xi32, #tpu.memory_space<vmem>>
    %dma_wait3A_118 = tpu.memref_squeeze %dma_wait3A_117 : memref<1x128xi32, #tpu.memory_space<vmem>> -> memref<128xi32, #tpu.memory_space<vmem>>
    %dma_wait3A_119 = arith.constant 0 : i32
    %dma_wait3A_120 = arith.constant 0 : i32
    %dma_wait3A_121 = tpu.memref_slice %arg7[%dma_wait3A_119, %dma_wait3A_120] : memref<1000000x64xf32, #tpu.memory_space<hbm>> -> memref<1000000x64xf32, #tpu.memory_space<hbm>>
    tpu.wait_indirect_dma semaphore(%arg20 : memref<!tpu.dma_semaphore, #tpu.memory_space<semaphore_mem>>) src(%dma_wait3A_121 : memref<1000000x64xf32, #tpu.memory_space<hbm>>) dst(%dma_wait3A_115 : memref<128x64xf32, #tpu.memory_space<vmem>>)
    %dma_wait3A_122 = arith.constant 2 : i32
    %dma_wait3A_123 = arith.constant 256 : i32
    %dma_wait3A_124 = arith.constant 0 : i32
    %dma_wait3A_125 = tpu.memref_slice %arg15[%dma_wait3A_123, %dma_wait3A_124] : memref<512x64xf32, #tpu.memory_space<vmem>> -> memref<128x64xf32, #tpu.memory_space<vmem>>
    %dma_wait3A_126 = arith.constant 0 : i32
    %dma_wait3A_127 = tpu.memref_slice %arg13[%dma_wait3A_122, %dma_wait3A_126] : memref<4x128xi32, #tpu.memory_space<vmem>> -> memref<1x128xi32, #tpu.memory_space<vmem>>
    %dma_wait3A_128 = tpu.memref_squeeze %dma_wait3A_127 : memref<1x128xi32, #tpu.memory_space<vmem>> -> memref<128xi32, #tpu.memory_space<vmem>>
    %dma_wait3A_129 = arith.constant 0 : i32
    %dma_wait3A_130 = arith.constant 0 : i32
    %dma_wait3A_131 = tpu.memref_slice %arg6[%dma_wait3A_129, %dma_wait3A_130] : memref<1000000x64xf32, #tpu.memory_space<hbm>> -> memref<1000000x64xf32, #tpu.memory_space<hbm>>
    tpu.wait_indirect_dma semaphore(%arg20 : memref<!tpu.dma_semaphore, #tpu.memory_space<semaphore_mem>>) src(%dma_wait3A_131 : memref<1000000x64xf32, #tpu.memory_space<hbm>>) dst(%dma_wait3A_125 : memref<128x64xf32, #tpu.memory_space<vmem>>)
    %dma_wait3A_132 = arith.constant 2 : i32
    %dma_wait3A_133 = arith.constant 256 : i32
    %dma_wait3A_134 = arith.constant 0 : i32
    %dma_wait3A_135 = tpu.memref_slice %arg16[%dma_wait3A_133, %dma_wait3A_134] : memref<512x64xf32, #tpu.memory_space<vmem>> -> memref<128x64xf32, #tpu.memory_space<vmem>>
    %dma_wait3A_136 = arith.constant 0 : i32
    %dma_wait3A_137 = tpu.memref_slice %arg14[%dma_wait3A_132, %dma_wait3A_136] : memref<4x128xi32, #tpu.memory_space<vmem>> -> memref<1x128xi32, #tpu.memory_space<vmem>>
    %dma_wait3A_138 = tpu.memref_squeeze %dma_wait3A_137 : memref<1x128xi32, #tpu.memory_space<vmem>> -> memref<128xi32, #tpu.memory_space<vmem>>
    %dma_wait3A_139 = arith.constant 0 : i32
    %dma_wait3A_140 = arith.constant 0 : i32
    %dma_wait3A_141 = tpu.memref_slice %arg7[%dma_wait3A_139, %dma_wait3A_140] : memref<1000000x64xf32, #tpu.memory_space<hbm>> -> memref<1000000x64xf32, #tpu.memory_space<hbm>>
    tpu.wait_indirect_dma semaphore(%arg20 : memref<!tpu.dma_semaphore, #tpu.memory_space<semaphore_mem>>) src(%dma_wait3A_141 : memref<1000000x64xf32, #tpu.memory_space<hbm>>) dst(%dma_wait3A_135 : memref<128x64xf32, #tpu.memory_space<vmem>>)
    %dma_wait3A_142 = arith.constant 3 : i32
    %dma_wait3A_143 = arith.constant 384 : i32
    %dma_wait3A_144 = arith.constant 0 : i32
    %dma_wait3A_145 = tpu.memref_slice %arg15[%dma_wait3A_143, %dma_wait3A_144] : memref<512x64xf32, #tpu.memory_space<vmem>> -> memref<128x64xf32, #tpu.memory_space<vmem>>
    %dma_wait3A_146 = arith.constant 0 : i32
    %dma_wait3A_147 = tpu.memref_slice %arg13[%dma_wait3A_142, %dma_wait3A_146] : memref<4x128xi32, #tpu.memory_space<vmem>> -> memref<1x128xi32, #tpu.memory_space<vmem>>
    %dma_wait3A_148 = tpu.memref_squeeze %dma_wait3A_147 : memref<1x128xi32, #tpu.memory_space<vmem>> -> memref<128xi32, #tpu.memory_space<vmem>>
    %dma_wait3A_149 = arith.constant 0 : i32
    %dma_wait3A_150 = arith.constant 0 : i32
    %dma_wait3A_151 = tpu.memref_slice %arg6[%dma_wait3A_149, %dma_wait3A_150] : memref<1000000x64xf32, #tpu.memory_space<hbm>> -> memref<1000000x64xf32, #tpu.memory_space<hbm>>
    tpu.wait_indirect_dma semaphore(%arg20 : memref<!tpu.dma_semaphore, #tpu.memory_space<semaphore_mem>>) src(%dma_wait3A_151 : memref<1000000x64xf32, #tpu.memory_space<hbm>>) dst(%dma_wait3A_145 : memref<128x64xf32, #tpu.memory_space<vmem>>)
    %dma_wait3A_152 = arith.constant 3 : i32
    %dma_wait3A_153 = arith.constant 384 : i32
    %dma_wait3A_154 = arith.constant 0 : i32
    %dma_wait3A_155 = tpu.memref_slice %arg16[%dma_wait3A_153, %dma_wait3A_154] : memref<512x64xf32, #tpu.memory_space<vmem>> -> memref<128x64xf32, #tpu.memory_space<vmem>>
    %dma_wait3A_156 = arith.constant 0 : i32
    %dma_wait3A_157 = tpu.memref_slice %arg14[%dma_wait3A_152, %dma_wait3A_156] : memref<4x128xi32, #tpu.memory_space<vmem>> -> memref<1x128xi32, #tpu.memory_space<vmem>>
    %dma_wait3A_158 = tpu.memref_squeeze %dma_wait3A_157 : memref<1x128xi32, #tpu.memory_space<vmem>> -> memref<128xi32, #tpu.memory_space<vmem>>
    %dma_wait3A_159 = arith.constant 0 : i32
    %dma_wait3A_160 = arith.constant 0 : i32
    %dma_wait3A_161 = tpu.memref_slice %arg7[%dma_wait3A_159, %dma_wait3A_160] : memref<1000000x64xf32, #tpu.memory_space<hbm>> -> memref<1000000x64xf32, #tpu.memory_space<hbm>>
    tpu.wait_indirect_dma semaphore(%arg20 : memref<!tpu.dma_semaphore, #tpu.memory_space<semaphore_mem>>) src(%dma_wait3A_161 : memref<1000000x64xf32, #tpu.memory_space<hbm>>) dst(%dma_wait3A_155 : memref<128x64xf32, #tpu.memory_space<vmem>>)
    %scan3A = arith.constant 0 : i32
    %scan3A_162 = arith.constant 0 : i32
    %scan3A_163 = arith.constant 32 : i32
    %scan3A_164 = arith.addi %scan3A_162, %scan3A_163 : i32
    %scan3A_165 = arith.constant 1 : i32
    %scan3A_166 = scf.for %scan3A_335 = %scan3A_162 to %scan3A_164 step %scan3A_165 iter_args(%scan3A_336 = %scan3A) -> (i32)  : i32 {
      %mul3A_337 = arith.constant 16 : i32
      %mul3A_338 = arith.muli %scan3A_335, %mul3A_337 : i32
      %iota3A = tpu.iota {dimensions = array<i32: 0>} : vector<16xi32>
      %add3A_339 = vector.broadcast %mul3A_338 : i32 to vector<16xi32>
      %add3A_340 = arith.addi %add3A_339, %iota3A : vector<16xi32>
      %scan3A_341 = arith.constant 0 : i32
      %scan3A_342 = arith.constant 16 : i32
      %scan3A_343 = arith.addi %scan3A_341, %scan3A_342 : i32
      %scan3A_344 = arith.constant 1 : i32
      %scan3A_345:3 = scf.for %scan3A_359 = %scan3A_341 to %scan3A_343 step %scan3A_344 iter_args(%scan3A_360 = %broadcast_in_dim3A_3, %scan3A_361 = %broadcast_in_dim3A_3, %scan3A_362 = %broadcast_in_dim3A_3) -> (vector<16xf32>, vector<16xf32>, vector<16xf32>)  : i32 {
        %broadcast_in_dim3A_363 = arith.constant 0 : i32
        %broadcast_in_dim3A_364 = vector.broadcast %broadcast_in_dim3A_363 : i32 to vector<16xi32>
        %mul3A_365 = arith.constant 4 : i32
        %mul3A_366 = arith.muli %scan3A_359, %mul3A_365 : i32
        %add3A_367 = arith.constant 0 : i32
        %add3A_368 = arith.addi %mul3A_366, %add3A_367 : i32
        %add3A_369 = vector.broadcast %add3A_368 : i32 to vector<16xi32>
        %add3A_370 = arith.addi %broadcast_in_dim3A_364, %add3A_369 : vector<16xi32>
        %gather3A = tpu.vector_load_idx %arg15[%add3A_340, %add3A_370] : memref<512x64xf32, #tpu.memory_space<vmem>>[vector<16xi32>, vector<16xi32>], vector<16xf32>,
        %gather3A_371 = tpu.vector_load_idx %arg16[%add3A_340, %add3A_370] : memref<512x64xf32, #tpu.memory_space<vmem>>[vector<16xi32>, vector<16xi32>], vector<16xf32>,
        %mul3A_372 = arith.mulf %gather3A, %gather3A_371 : vector<16xf32>
        %add3A_373 = arith.addf %scan3A_360, %mul3A_372 : vector<16xf32>
        %mul3A_374 = arith.mulf %gather3A, %gather3A : vector<16xf32>
        %add3A_375 = arith.addf %scan3A_361, %mul3A_374 : vector<16xf32>
        %mul3A_376 = arith.mulf %gather3A_371, %gather3A_371 : vector<16xf32>
        %add3A_377 = arith.addf %scan3A_362, %mul3A_376 : vector<16xf32>
        %broadcast_in_dim3A_378 = arith.constant 0 : i32
        %broadcast_in_dim3A_379 = vector.broadcast %broadcast_in_dim3A_378 : i32 to vector<16xi32>
        %mul3A_380 = arith.constant 4 : i32
        %mul3A_381 = arith.muli %scan3A_359, %mul3A_380 : i32
        %add3A_382 = arith.constant 1 : i32
        %add3A_383 = arith.addi %mul3A_381, %add3A_382 : i32
        %add3A_384 = vector.broadcast %add3A_383 : i32 to vector<16xi32>
        %add3A_385 = arith.addi %broadcast_in_dim3A_379, %add3A_384 : vector<16xi32>
        %gather3A_386 = tpu.vector_load_idx %arg15[%add3A_340, %add3A_385] : memref<512x64xf32, #tpu.memory_space<vmem>>[vector<16xi32>, vector<16xi32>], vector<16xf32>,
        %gather3A_387 = tpu.vector_load_idx %arg16[%add3A_340, %add3A_385] : memref<512x64xf32, #tpu.memory_space<vmem>>[vector<16xi32>, vector<16xi32>], vector<16xf32>,
        %mul3A_388 = arith.mulf %gather3A_386, %gather3A_387 : vector<16xf32>
        %add3A_389 = arith.addf %add3A_373, %mul3A_388 : vector<16xf32>
        %mul3A_390 = arith.mulf %gather3A_386, %gather3A_386 : vector<16xf32>
        %add3A_391 = arith.addf %add3A_375, %mul3A_390 : vector<16xf32>
        %mul3A_392 = arith.mulf %gather3A_387, %gather3A_387 : vector<16xf32>
        %add3A_393 = arith.addf %add3A_377, %mul3A_392 : vector<16xf32>
        %broadcast_in_dim3A_394 = arith.constant 0 : i32
        %broadcast_in_dim3A_395 = vector.broadcast %broadcast_in_dim3A_394 : i32 to vector<16xi32>
        %mul3A_396 = arith.constant 4 : i32
        %mul3A_397 = arith.muli %scan3A_359, %mul3A_396 : i32
        %add3A_398 = arith.constant 2 : i32
        %add3A_399 = arith.addi %mul3A_397, %add3A_398 : i32
        %add3A_400 = vector.broadcast %add3A_399 : i32 to vector<16xi32>
        %add3A_401 = arith.addi %broadcast_in_dim3A_395, %add3A_400 : vector<16xi32>
        %gather3A_402 = tpu.vector_load_idx %arg15[%add3A_340, %add3A_401] : memref<512x64xf32, #tpu.memory_space<vmem>>[vector<16xi32>, vector<16xi32>], vector<16xf32>,
        %gather3A_403 = tpu.vector_load_idx %arg16[%add3A_340, %add3A_401] : memref<512x64xf32, #tpu.memory_space<vmem>>[vector<16xi32>, vector<16xi32>], vector<16xf32>,
        %mul3A_404 = arith.mulf %gather3A_402, %gather3A_403 : vector<16xf32>
        %add3A_405 = arith.addf %add3A_389, %mul3A_404 : vector<16xf32>
        %mul3A_406 = arith.mulf %gather3A_402, %gather3A_402 : vector<16xf32>
        %add3A_407 = arith.addf %add3A_391, %mul3A_406 : vector<16xf32>
        %mul3A_408 = arith.mulf %gather3A_403, %gather3A_403 : vector<16xf32>
        %add3A_409 = arith.addf %add3A_393, %mul3A_408 : vector<16xf32>
        %broadcast_in_dim3A_410 = arith.constant 0 : i32
        %broadcast_in_dim3A_411 = vector.broadcast %broadcast_in_dim3A_410 : i32 to vector<16xi32>
        %mul3A_412 = arith.constant 4 : i32
        %mul3A_413 = arith.muli %scan3A_359, %mul3A_412 : i32
        %add3A_414 = arith.constant 3 : i32
        %add3A_415 = arith.addi %mul3A_413, %add3A_414 : i32
        %add3A_416 = vector.broadcast %add3A_415 : i32 to vector<16xi32>
        %add3A_417 = arith.addi %broadcast_in_dim3A_411, %add3A_416 : vector<16xi32>
        %gather3A_418 = tpu.vector_load_idx %arg15[%add3A_340, %add3A_417] : memref<512x64xf32, #tpu.memory_space<vmem>>[vector<16xi32>, vector<16xi32>], vector<16xf32>,
        %gather3A_419 = tpu.vector_load_idx %arg16[%add3A_340, %add3A_417] : memref<512x64xf32, #tpu.memory_space<vmem>>[vector<16xi32>, vector<16xi32>], vector<16xf32>,
        %mul3A_420 = arith.mulf %gather3A_418, %gather3A_419 : vector<16xf32>
        %add3A_421 = arith.addf %add3A_405, %mul3A_420 : vector<16xf32>
        %mul3A_422 = arith.mulf %gather3A_418, %gather3A_418 : vector<16xf32>
        %add3A_423 = arith.addf %add3A_407, %mul3A_422 : vector<16xf32>
        %mul3A_424 = arith.mulf %gather3A_419, %gather3A_419 : vector<16xf32>
        %add3A_425 = arith.addf %add3A_409, %mul3A_424 : vector<16xf32>
        scf.yield %add3A_421, %add3A_423, %add3A_425 : vector<16xf32>, vector<16xf32>, vector<16xf32>
      }
      %scan3A_346 = arith.constant 16 : i32
      %mul3A_347 = arith.constant 16 : i32
      %mul3A_348 = arith.muli %scan3A_335, %mul3A_347 : i32
      %swap3A = arith.index_cast %mul3A_348 : i32 to index
      %swap3A_349 = tpu.vector_load %arg17[%swap3A] {strides = array<i32>} : memref<512xf32, #tpu.memory_space<vmem>>, vector<16xf32>,
      tpu.vector_store %arg17[%swap3A], %scan3A_345#0 {strides = array<i32>} : memref<512xf32, #tpu.memory_space<vmem>>, vector<16xf32>,
      %mul3A_350 = arith.constant 16 : i32
      %mul3A_351 = arith.muli %scan3A_335, %mul3A_350 : i32
      %swap3A_352 = arith.index_cast %mul3A_351 : i32 to index
      %swap3A_353 = tpu.vector_load %arg18[%swap3A_352] {strides = array<i32>} : memref<512xf32, #tpu.memory_space<vmem>>, vector<16xf32>,
      tpu.vector_store %arg18[%swap3A_352], %scan3A_345#1 {strides = array<i32>} : memref<512xf32, #tpu.memory_space<vmem>>, vector<16xf32>,
      %mul3A_354 = arith.constant 16 : i32
      %mul3A_355 = arith.muli %scan3A_335, %mul3A_354 : i32
      %swap3A_356 = arith.index_cast %mul3A_355 : i32 to index
      %swap3A_357 = tpu.vector_load %arg19[%swap3A_356] {strides = array<i32>} : memref<512xf32, #tpu.memory_space<vmem>>, vector<16xf32>,
      tpu.vector_store %arg19[%swap3A_356], %scan3A_345#2 {strides = array<i32>} : memref<512xf32, #tpu.memory_space<vmem>>, vector<16xf32>,
      %scan3A_358 = arith.constant 0 : i32
      scf.yield %scan3A_358 : i32
    }
    %scan3A_167 = arith.constant 32 : i32
    "tpu.region"() ({
      %run_scoped3A = tpu.sem_alloc : memref<!tpu.dma_semaphore, #tpu.memory_space<semaphore_mem>>
      %dma_start3A_335 = tpu.memref_slice %arg9[%mul3A_2] : memref<16384xf32, #tpu.memory_space<hbm>> -> memref<512xf32, #tpu.memory_space<hbm>>
      %dma_start3A_336 = tpu.memref_slice %arg9[%mul3A_2] : memref<16384xf32, #tpu.memory_space<hbm>> -> memref<512xf32, #tpu.memory_space<hbm>>
      tpu.enqueue_dma source(%arg17 : memref<512xf32, #tpu.memory_space<vmem>>) target(%dma_start3A_336 : memref<512xf32, #tpu.memory_space<hbm>>) target_semaphore(%run_scoped3A : memref<!tpu.dma_semaphore, #tpu.memory_space<semaphore_mem>>)
      %dma_wait3A_337 = tpu.memref_slice %arg9[%mul3A_2] : memref<16384xf32, #tpu.memory_space<hbm>> -> memref<512xf32, #tpu.memory_space<hbm>>
      %dma_wait3A_338 = tpu.memref_slice %arg9[%mul3A_2] : memref<16384xf32, #tpu.memory_space<hbm>> -> memref<512xf32, #tpu.memory_space<hbm>>
      tpu.wait_dma2 semaphore(%run_scoped3A : memref<!tpu.dma_semaphore, #tpu.memory_space<semaphore_mem>>) src(%arg17 : memref<512xf32, #tpu.memory_space<vmem>>) dst(%dma_wait3A_338 : memref<512xf32, #tpu.memory_space<hbm>>)
      tpu.yield
    }) : () -> ()
    "tpu.region"() ({
      %run_scoped3A = tpu.sem_alloc : memref<!tpu.dma_semaphore, #tpu.memory_space<semaphore_mem>>
      %dma_start3A_335 = tpu.memref_slice %arg10[%mul3A_2] : memref<16384xf32, #tpu.memory_space<hbm>> -> memref<512xf32, #tpu.memory_space<hbm>>
      %dma_start3A_336 = tpu.memref_slice %arg10[%mul3A_2] : memref<16384xf32, #tpu.memory_space<hbm>> -> memref<512xf32, #tpu.memory_space<hbm>>
      tpu.enqueue_dma source(%arg18 : memref<512xf32, #tpu.memory_space<vmem>>) target(%dma_start3A_336 : memref<512xf32, #tpu.memory_space<hbm>>) target_semaphore(%run_scoped3A : memref<!tpu.dma_semaphore, #tpu.memory_space<semaphore_mem>>)
      %dma_wait3A_337 = tpu.memref_slice %arg10[%mul3A_2] : memref<16384xf32, #tpu.memory_space<hbm>> -> memref<512xf32, #tpu.memory_space<hbm>>
      %dma_wait3A_338 = tpu.memref_slice %arg10[%mul3A_2] : memref<16384xf32, #tpu.memory_space<hbm>> -> memref<512xf32, #tpu.memory_space<hbm>>
      tpu.wait_dma2 semaphore(%run_scoped3A : memref<!tpu.dma_semaphore, #tpu.memory_space<semaphore_mem>>) src(%arg18 : memref<512xf32, #tpu.memory_space<vmem>>) dst(%dma_wait3A_338 : memref<512xf32, #tpu.memory_space<hbm>>)
      tpu.yield
    }) : () -> ()
    "tpu.region"() ({
      %run_scoped3A = tpu.sem_alloc : memref<!tpu.dma_semaphore, #tpu.memory_space<semaphore_mem>>
      %dma_start3A_335 = tpu.memref_slice %arg11[%mul3A_2] : memref<16384xf32, #tpu.memory_space<hbm>> -> memref<512xf32, #tpu.memory_space<hbm>>
      %dma_start3A_336 = tpu.memref_slice %arg11[%mul3A_2] : memref<16384xf32, #tpu.memory_space<hbm>> -> memref<512xf32, #tpu.memory_space<hbm>>
      tpu.enqueue_dma source(%arg19 : memref<512xf32, #tpu.memory_space<vmem>>) target(%dma_start3A_336 : memref<512xf32, #tpu.memory_space<hbm>>) target_semaphore(%run_scoped3A : memref<!tpu.dma_semaphore, #tpu.memory_space<semaphore_mem>>)
      %dma_wait3A_337 = tpu.memref_slice %arg11[%mul3A_2] : memref<16384xf32, #tpu.memory_space<hbm>> -> memref<512xf32, #tpu.memory_space<hbm>>
      %dma_wait3A_338 = tpu.memref_slice %arg11[%mul3A_2] : memref<16384xf32, #tpu.memory_space<hbm>> -> memref<512xf32, #tpu.memory_space<hbm>>
      tpu.wait_dma2 semaphore(%run_scoped3A : memref<!tpu.dma_semaphore, #tpu.memory_space<semaphore_mem>>) src(%arg19 : memref<512xf32, #tpu.memory_space<vmem>>) dst(%dma_wait3A_338 : memref<512xf32, #tpu.memory_space<hbm>>)
      tpu.yield
    }) : () -> ()
    "tpu.region"() ({
      %run_scoped3A = tpu.sem_alloc : memref<!tpu.dma_semaphore, #tpu.memory_space<semaphore_mem>>
      %dma_start3A_335 = arith.constant 0 : i32
      %dma_start3A_336 = arith.constant 0 : i32
      %dma_start3A_337 = tpu.memref_slice %arg4[%add3A, %dma_start3A_335, %dma_start3A_336] : memref<32x4x128xi32, #tpu.memory_space<hbm>> -> memref<1x4x128xi32, #tpu.memory_space<hbm>>
      %dma_start3A_338 = tpu.memref_squeeze %dma_start3A_337 : memref<1x4x128xi32, #tpu.memory_space<hbm>> -> memref<4x128xi32, #tpu.memory_space<hbm>>
      %dma_start3A_339 = arith.constant 0 : i32
      %dma_start3A_340 = arith.constant 0 : i32
      %dma_start3A_341 = tpu.memref_slice %arg4[%add3A, %dma_start3A_339, %dma_start3A_340] : memref<32x4x128xi32, #tpu.memory_space<hbm>> -> memref<1x4x128xi32, #tpu.memory_space<hbm>>
      %dma_start3A_342 = tpu.memref_squeeze %dma_start3A_341 : memref<1x4x128xi32, #tpu.memory_space<hbm>> -> memref<4x128xi32, #tpu.memory_space<hbm>>
      tpu.enqueue_dma source(%dma_start3A_342 : memref<4x128xi32, #tpu.memory_space<hbm>>) target(%arg13 : memref<4x128xi32, #tpu.memory_space<vmem>>) target_semaphore(%run_scoped3A : memref<!tpu.dma_semaphore, #tpu.memory_space<semaphore_mem>>)
      %dma_wait3A_343 = arith.constant 0 : i32
      %dma_wait3A_344 = arith.constant 0 : i32
      %dma_wait3A_345 = tpu.memref_slice %arg4[%add3A, %dma_wait3A_343, %dma_wait3A_344] : memref<32x4x128xi32, #tpu.memory_space<hbm>> -> memref<1x4x128xi32, #tpu.memory_space<hbm>>
      %dma_wait3A_346 = tpu.memref_squeeze %dma_wait3A_345 : memref<1x4x128xi32, #tpu.memory_space<hbm>> -> memref<4x128xi32, #tpu.memory_space<hbm>>
      %dma_wait3A_347 = arith.constant 0 : i32
      %dma_wait3A_348 = arith.constant 0 : i32
      %dma_wait3A_349 = tpu.memref_slice %arg4[%add3A, %dma_wait3A_347, %dma_wait3A_348] : memref<32x4x128xi32, #tpu.memory_space<hbm>> -> memref<1x4x128xi32, #tpu.memory_space<hbm>>
      %dma_wait3A_350 = tpu.memref_squeeze %dma_wait3A_349 : memref<1x4x128xi32, #tpu.memory_space<hbm>> -> memref<4x128xi32, #tpu.memory_space<hbm>>
      tpu.wait_dma2 semaphore(%run_scoped3A : memref<!tpu.dma_semaphore, #tpu.memory_space<semaphore_mem>>) src(%dma_wait3A_350 : memref<4x128xi32, #tpu.memory_space<hbm>>) dst(%arg13 : memref<4x128xi32, #tpu.memory_space<vmem>>)
      tpu.yield
    }) : () -> ()
    "tpu.region"() ({
      %run_scoped3A = tpu.sem_alloc : memref<!tpu.dma_semaphore, #tpu.memory_space<semaphore_mem>>
      %dma_start3A_335 = arith.constant 0 : i32
      %dma_start3A_336 = arith.constant 0 : i32
      %dma_start3A_337 = tpu.memref_slice %arg5[%add3A, %dma_start3A_335, %dma_start3A_336] : memref<32x4x128xi32, #tpu.memory_space<hbm>> -> memref<1x4x128xi32, #tpu.memory_space<hbm>>
      %dma_start3A_338 = tpu.memref_squeeze %dma_start3A_337 : memref<1x4x128xi32, #tpu.memory_space<hbm>> -> memref<4x128xi32, #tpu.memory_space<hbm>>
      %dma_start3A_339 = arith.constant 0 : i32
      %dma_start3A_340 = arith.constant 0 : i32
      %dma_start3A_341 = tpu.memref_slice %arg5[%add3A, %dma_start3A_339, %dma_start3A_340] : memref<32x4x128xi32, #tpu.memory_space<hbm>> -> memref<1x4x128xi32, #tpu.memory_space<hbm>>
      %dma_start3A_342 = tpu.memref_squeeze %dma_start3A_341 : memref<1x4x128xi32, #tpu.memory_space<hbm>> -> memref<4x128xi32, #tpu.memory_space<hbm>>
      tpu.enqueue_dma source(%dma_start3A_342 : memref<4x128xi32, #tpu.memory_space<hbm>>) target(%arg14 : memref<4x128xi32, #tpu.memory_space<vmem>>) target_semaphore(%run_scoped3A : memref<!tpu.dma_semaphore, #tpu.memory_space<semaphore_mem>>)
      %dma_wait3A_343 = arith.constant 0 : i32
      %dma_wait3A_344 = arith.constant 0 : i32
      %dma_wait3A_345 = tpu.memref_slice %arg5[%add3A, %dma_wait3A_343, %dma_wait3A_344] : memref<32x4x128xi32, #tpu.memory_space<hbm>> -> memref<1x4x128xi32, #tpu.memory_space<hbm>>
      %dma_wait3A_346 = tpu.memref_squeeze %dma_wait3A_345 : memref<1x4x128xi32, #tpu.memory_space<hbm>> -> memref<4x128xi32, #tpu.memory_space<hbm>>
      %dma_wait3A_347 = arith.constant 0 : i32
      %dma_wait3A_348 = arith.constant 0 : i32
      %dma_wait3A_349 = tpu.memref_slice %arg5[%add3A, %dma_wait3A_347, %dma_wait3A_348] : memref<32x4x128xi32, #tpu.memory_space<hbm>> -> memref<1x4x128xi32, #tpu.memory_space<hbm>>
      %dma_wait3A_350 = tpu.memref_squeeze %dma_wait3A_349 : memref<1x4x128xi32, #tpu.memory_space<hbm>> -> memref<4x128xi32, #tpu.memory_space<hbm>>
      tpu.wait_dma2 semaphore(%run_scoped3A : memref<!tpu.dma_semaphore, #tpu.memory_space<semaphore_mem>>) src(%dma_wait3A_350 : memref<4x128xi32, #tpu.memory_space<hbm>>) dst(%arg14 : memref<4x128xi32, #tpu.memory_space<vmem>>)
      tpu.yield
    }) : () -> ()
    %dma_start3A_168 = arith.constant 0 : i32
    %dma_start3A_169 = arith.constant 0 : i32
    %dma_start3A_170 = arith.constant 0 : i32
    %dma_start3A_171 = tpu.memref_slice %arg15[%dma_start3A_169, %dma_start3A_170] : memref<512x64xf32, #tpu.memory_space<vmem>> -> memref<128x64xf32, #tpu.memory_space<vmem>>
    %dma_start3A_172 = arith.constant 0 : i32
    %dma_start3A_173 = tpu.memref_slice %arg13[%dma_start3A_168, %dma_start3A_172] : memref<4x128xi32, #tpu.memory_space<vmem>> -> memref<1x128xi32, #tpu.memory_space<vmem>>
    %dma_start3A_174 = tpu.memref_squeeze %dma_start3A_173 : memref<1x128xi32, #tpu.memory_space<vmem>> -> memref<128xi32, #tpu.memory_space<vmem>>
    %dma_start3A_175 = arith.constant 0 : i32
    %dma_start3A_176 = arith.constant 0 : i32
    %dma_start3A_177 = tpu.memref_slice %arg6[%dma_start3A_175, %dma_start3A_176] : memref<1000000x64xf32, #tpu.memory_space<hbm>> -> memref<1000000x64xf32, #tpu.memory_space<hbm>>
    tpu.enqueue_indirect_dma source(%dma_start3A_177 : memref<1000000x64xf32, #tpu.memory_space<hbm>>) target(%dma_start3A_171 : memref<128x64xf32, #tpu.memory_space<vmem>>) offsets(%dma_start3A_174 : memref<128xi32, #tpu.memory_space<vmem>>) semaphore(%arg20 : memref<!tpu.dma_semaphore, #tpu.memory_space<semaphore_mem>>)
    %dma_start3A_178 = arith.constant 0 : i32
    %dma_start3A_179 = arith.constant 0 : i32
    %dma_start3A_180 = arith.constant 0 : i32
    %dma_start3A_181 = tpu.memref_slice %arg16[%dma_start3A_179, %dma_start3A_180] : memref<512x64xf32, #tpu.memory_space<vmem>> -> memref<128x64xf32, #tpu.memory_space<vmem>>
    %dma_start3A_182 = arith.constant 0 : i32
    %dma_start3A_183 = tpu.memref_slice %arg14[%dma_start3A_178, %dma_start3A_182] : memref<4x128xi32, #tpu.memory_space<vmem>> -> memref<1x128xi32, #tpu.memory_space<vmem>>
    %dma_start3A_184 = tpu.memref_squeeze %dma_start3A_183 : memref<1x128xi32, #tpu.memory_space<vmem>> -> memref<128xi32, #tpu.memory_space<vmem>>
    %dma_start3A_185 = arith.constant 0 : i32
    %dma_start3A_186 = arith.constant 0 : i32
    %dma_start3A_187 = tpu.memref_slice %arg8[%dma_start3A_185, %dma_start3A_186] : memref<100000x64xf32, #tpu.memory_space<hbm>> -> memref<100000x64xf32, #tpu.memory_space<hbm>>
    tpu.enqueue_indirect_dma source(%dma_start3A_187 : memref<100000x64xf32, #tpu.memory_space<hbm>>) target(%dma_start3A_181 : memref<128x64xf32, #tpu.memory_space<vmem>>) offsets(%dma_start3A_184 : memref<128xi32, #tpu.memory_space<vmem>>) semaphore(%arg20 : memref<!tpu.dma_semaphore, #tpu.memory_space<semaphore_mem>>)
    %dma_start3A_188 = arith.constant 1 : i32
    %dma_start3A_189 = arith.constant 128 : i32
    %dma_start3A_190 = arith.constant 0 : i32
    %dma_start3A_191 = tpu.memref_slice %arg15[%dma_start3A_189, %dma_start3A_190] : memref<512x64xf32, #tpu.memory_space<vmem>> -> memref<128x64xf32, #tpu.memory_space<vmem>>
    %dma_start3A_192 = arith.constant 0 : i32
    %dma_start3A_193 = tpu.memref_slice %arg13[%dma_start3A_188, %dma_start3A_192] : memref<4x128xi32, #tpu.memory_space<vmem>> -> memref<1x128xi32, #tpu.memory_space<vmem>>
    %dma_start3A_194 = tpu.memref_squeeze %dma_start3A_193 : memref<1x128xi32, #tpu.memory_space<vmem>> -> memref<128xi32, #tpu.memory_space<vmem>>
    %dma_start3A_195 = arith.constant 0 : i32
    %dma_start3A_196 = arith.constant 0 : i32
    %dma_start3A_197 = tpu.memref_slice %arg6[%dma_start3A_195, %dma_start3A_196] : memref<1000000x64xf32, #tpu.memory_space<hbm>> -> memref<1000000x64xf32, #tpu.memory_space<hbm>>
    tpu.enqueue_indirect_dma source(%dma_start3A_197 : memref<1000000x64xf32, #tpu.memory_space<hbm>>) target(%dma_start3A_191 : memref<128x64xf32, #tpu.memory_space<vmem>>) offsets(%dma_start3A_194 : memref<128xi32, #tpu.memory_space<vmem>>) semaphore(%arg20 : memref<!tpu.dma_semaphore, #tpu.memory_space<semaphore_mem>>)
    %dma_start3A_198 = arith.constant 1 : i32
    %dma_start3A_199 = arith.constant 128 : i32
    %dma_start3A_200 = arith.constant 0 : i32
    %dma_start3A_201 = tpu.memref_slice %arg16[%dma_start3A_199, %dma_start3A_200] : memref<512x64xf32, #tpu.memory_space<vmem>> -> memref<128x64xf32, #tpu.memory_space<vmem>>
    %dma_start3A_202 = arith.constant 0 : i32
    %dma_start3A_203 = tpu.memref_slice %arg14[%dma_start3A_198, %dma_start3A_202] : memref<4x128xi32, #tpu.memory_space<vmem>> -> memref<1x128xi32, #tpu.memory_space<vmem>>
    %dma_start3A_204 = tpu.memref_squeeze %dma_start3A_203 : memref<1x128xi32, #tpu.memory_space<vmem>> -> memref<128xi32, #tpu.memory_space<vmem>>
    %dma_start3A_205 = arith.constant 0 : i32
    %dma_start3A_206 = arith.constant 0 : i32
    %dma_start3A_207 = tpu.memref_slice %arg8[%dma_start3A_205, %dma_start3A_206] : memref<100000x64xf32, #tpu.memory_space<hbm>> -> memref<100000x64xf32, #tpu.memory_space<hbm>>
    tpu.enqueue_indirect_dma source(%dma_start3A_207 : memref<100000x64xf32, #tpu.memory_space<hbm>>) target(%dma_start3A_201 : memref<128x64xf32, #tpu.memory_space<vmem>>) offsets(%dma_start3A_204 : memref<128xi32, #tpu.memory_space<vmem>>) semaphore(%arg20 : memref<!tpu.dma_semaphore, #tpu.memory_space<semaphore_mem>>)
    %dma_start3A_208 = arith.constant 2 : i32
    %dma_start3A_209 = arith.constant 256 : i32
    %dma_start3A_210 = arith.constant 0 : i32
    %dma_start3A_211 = tpu.memref_slice %arg15[%dma_start3A_209, %dma_start3A_210] : memref<512x64xf32, #tpu.memory_space<vmem>> -> memref<128x64xf32, #tpu.memory_space<vmem>>
    %dma_start3A_212 = arith.constant 0 : i32
    %dma_start3A_213 = tpu.memref_slice %arg13[%dma_start3A_208, %dma_start3A_212] : memref<4x128xi32, #tpu.memory_space<vmem>> -> memref<1x128xi32, #tpu.memory_space<vmem>>
    %dma_start3A_214 = tpu.memref_squeeze %dma_start3A_213 : memref<1x128xi32, #tpu.memory_space<vmem>> -> memref<128xi32, #tpu.memory_space<vmem>>
    %dma_start3A_215 = arith.constant 0 : i32
    %dma_start3A_216 = arith.constant 0 : i32
    %dma_start3A_217 = tpu.memref_slice %arg6[%dma_start3A_215, %dma_start3A_216] : memref<1000000x64xf32, #tpu.memory_space<hbm>> -> memref<1000000x64xf32, #tpu.memory_space<hbm>>
    tpu.enqueue_indirect_dma source(%dma_start3A_217 : memref<1000000x64xf32, #tpu.memory_space<hbm>>) target(%dma_start3A_211 : memref<128x64xf32, #tpu.memory_space<vmem>>) offsets(%dma_start3A_214 : memref<128xi32, #tpu.memory_space<vmem>>) semaphore(%arg20 : memref<!tpu.dma_semaphore, #tpu.memory_space<semaphore_mem>>)
    %dma_start3A_218 = arith.constant 2 : i32
    %dma_start3A_219 = arith.constant 256 : i32
    %dma_start3A_220 = arith.constant 0 : i32
    %dma_start3A_221 = tpu.memref_slice %arg16[%dma_start3A_219, %dma_start3A_220] : memref<512x64xf32, #tpu.memory_space<vmem>> -> memref<128x64xf32, #tpu.memory_space<vmem>>
    %dma_start3A_222 = arith.constant 0 : i32
    %dma_start3A_223 = tpu.memref_slice %arg14[%dma_start3A_218, %dma_start3A_222] : memref<4x128xi32, #tpu.memory_space<vmem>> -> memref<1x128xi32, #tpu.memory_space<vmem>>
    %dma_start3A_224 = tpu.memref_squeeze %dma_start3A_223 : memref<1x128xi32, #tpu.memory_space<vmem>> -> memref<128xi32, #tpu.memory_space<vmem>>
    %dma_start3A_225 = arith.constant 0 : i32
    %dma_start3A_226 = arith.constant 0 : i32
    %dma_start3A_227 = tpu.memref_slice %arg8[%dma_start3A_225, %dma_start3A_226] : memref<100000x64xf32, #tpu.memory_space<hbm>> -> memref<100000x64xf32, #tpu.memory_space<hbm>>
    tpu.enqueue_indirect_dma source(%dma_start3A_227 : memref<100000x64xf32, #tpu.memory_space<hbm>>) target(%dma_start3A_221 : memref<128x64xf32, #tpu.memory_space<vmem>>) offsets(%dma_start3A_224 : memref<128xi32, #tpu.memory_space<vmem>>) semaphore(%arg20 : memref<!tpu.dma_semaphore, #tpu.memory_space<semaphore_mem>>)
    %dma_start3A_228 = arith.constant 3 : i32
    %dma_start3A_229 = arith.constant 384 : i32
    %dma_start3A_230 = arith.constant 0 : i32
    %dma_start3A_231 = tpu.memref_slice %arg15[%dma_start3A_229, %dma_start3A_230] : memref<512x64xf32, #tpu.memory_space<vmem>> -> memref<128x64xf32, #tpu.memory_space<vmem>>
    %dma_start3A_232 = arith.constant 0 : i32
    %dma_start3A_233 = tpu.memref_slice %arg13[%dma_start3A_228, %dma_start3A_232] : memref<4x128xi32, #tpu.memory_space<vmem>> -> memref<1x128xi32, #tpu.memory_space<vmem>>
    %dma_start3A_234 = tpu.memref_squeeze %dma_start3A_233 : memref<1x128xi32, #tpu.memory_space<vmem>> -> memref<128xi32, #tpu.memory_space<vmem>>
    %dma_start3A_235 = arith.constant 0 : i32
    %dma_start3A_236 = arith.constant 0 : i32
    %dma_start3A_237 = tpu.memref_slice %arg6[%dma_start3A_235, %dma_start3A_236] : memref<1000000x64xf32, #tpu.memory_space<hbm>> -> memref<1000000x64xf32, #tpu.memory_space<hbm>>
    tpu.enqueue_indirect_dma source(%dma_start3A_237 : memref<1000000x64xf32, #tpu.memory_space<hbm>>) target(%dma_start3A_231 : memref<128x64xf32, #tpu.memory_space<vmem>>) offsets(%dma_start3A_234 : memref<128xi32, #tpu.memory_space<vmem>>) semaphore(%arg20 : memref<!tpu.dma_semaphore, #tpu.memory_space<semaphore_mem>>)
    %dma_start3A_238 = arith.constant 3 : i32
    %dma_start3A_239 = arith.constant 384 : i32
    %dma_start3A_240 = arith.constant 0 : i32
    %dma_start3A_241 = tpu.memref_slice %arg16[%dma_start3A_239, %dma_start3A_240] : memref<512x64xf32, #tpu.memory_space<vmem>> -> memref<128x64xf32, #tpu.memory_space<vmem>>
    %dma_start3A_242 = arith.constant 0 : i32
    %dma_start3A_243 = tpu.memref_slice %arg14[%dma_start3A_238, %dma_start3A_242] : memref<4x128xi32, #tpu.memory_space<vmem>> -> memref<1x128xi32, #tpu.memory_space<vmem>>
    %dma_start3A_244 = tpu.memref_squeeze %dma_start3A_243 : memref<1x128xi32, #tpu.memory_space<vmem>> -> memref<128xi32, #tpu.memory_space<vmem>>
    %dma_start3A_245 = arith.constant 0 : i32
    %dma_start3A_246 = arith.constant 0 : i32
    %dma_start3A_247 = tpu.memref_slice %arg8[%dma_start3A_245, %dma_start3A_246] : memref<100000x64xf32, #tpu.memory_space<hbm>> -> memref<100000x64xf32, #tpu.memory_space<hbm>>
    tpu.enqueue_indirect_dma source(%dma_start3A_247 : memref<100000x64xf32, #tpu.memory_space<hbm>>) target(%dma_start3A_241 : memref<128x64xf32, #tpu.memory_space<vmem>>) offsets(%dma_start3A_244 : memref<128xi32, #tpu.memory_space<vmem>>) semaphore(%arg20 : memref<!tpu.dma_semaphore, #tpu.memory_space<semaphore_mem>>)
    %dma_wait3A_248 = arith.constant 0 : i32
    %dma_wait3A_249 = arith.constant 0 : i32
    %dma_wait3A_250 = arith.constant 0 : i32
    %dma_wait3A_251 = tpu.memref_slice %arg15[%dma_wait3A_249, %dma_wait3A_250] : memref<512x64xf32, #tpu.memory_space<vmem>> -> memref<128x64xf32, #tpu.memory_space<vmem>>
    %dma_wait3A_252 = arith.constant 0 : i32
    %dma_wait3A_253 = tpu.memref_slice %arg13[%dma_wait3A_248, %dma_wait3A_252] : memref<4x128xi32, #tpu.memory_space<vmem>> -> memref<1x128xi32, #tpu.memory_space<vmem>>
    %dma_wait3A_254 = tpu.memref_squeeze %dma_wait3A_253 : memref<1x128xi32, #tpu.memory_space<vmem>> -> memref<128xi32, #tpu.memory_space<vmem>>
    %dma_wait3A_255 = arith.constant 0 : i32
    %dma_wait3A_256 = arith.constant 0 : i32
    %dma_wait3A_257 = tpu.memref_slice %arg6[%dma_wait3A_255, %dma_wait3A_256] : memref<1000000x64xf32, #tpu.memory_space<hbm>> -> memref<1000000x64xf32, #tpu.memory_space<hbm>>
    tpu.wait_indirect_dma semaphore(%arg20 : memref<!tpu.dma_semaphore, #tpu.memory_space<semaphore_mem>>) src(%dma_wait3A_257 : memref<1000000x64xf32, #tpu.memory_space<hbm>>) dst(%dma_wait3A_251 : memref<128x64xf32, #tpu.memory_space<vmem>>)
    %dma_wait3A_258 = arith.constant 0 : i32
    %dma_wait3A_259 = arith.constant 0 : i32
    %dma_wait3A_260 = arith.constant 0 : i32
    %dma_wait3A_261 = tpu.memref_slice %arg16[%dma_wait3A_259, %dma_wait3A_260] : memref<512x64xf32, #tpu.memory_space<vmem>> -> memref<128x64xf32, #tpu.memory_space<vmem>>
    %dma_wait3A_262 = arith.constant 0 : i32
    %dma_wait3A_263 = tpu.memref_slice %arg14[%dma_wait3A_258, %dma_wait3A_262] : memref<4x128xi32, #tpu.memory_space<vmem>> -> memref<1x128xi32, #tpu.memory_space<vmem>>
    %dma_wait3A_264 = tpu.memref_squeeze %dma_wait3A_263 : memref<1x128xi32, #tpu.memory_space<vmem>> -> memref<128xi32, #tpu.memory_space<vmem>>
    %dma_wait3A_265 = arith.constant 0 : i32
    %dma_wait3A_266 = arith.constant 0 : i32
    %dma_wait3A_267 = tpu.memref_slice %arg8[%dma_wait3A_265, %dma_wait3A_266] : memref<100000x64xf32, #tpu.memory_space<hbm>> -> memref<100000x64xf32, #tpu.memory_space<hbm>>
    tpu.wait_indirect_dma semaphore(%arg20 : memref<!tpu.dma_semaphore, #tpu.memory_space<semaphore_mem>>) src(%dma_wait3A_267 : memref<100000x64xf32, #tpu.memory_space<hbm>>) dst(%dma_wait3A_261 : memref<128x64xf32, #tpu.memory_space<vmem>>)
    %dma_wait3A_268 = arith.constant 1 : i32
    %dma_wait3A_269 = arith.constant 128 : i32
    %dma_wait3A_270 = arith.constant 0 : i32
    %dma_wait3A_271 = tpu.memref_slice %arg15[%dma_wait3A_269, %dma_wait3A_270] : memref<512x64xf32, #tpu.memory_space<vmem>> -> memref<128x64xf32, #tpu.memory_space<vmem>>
    %dma_wait3A_272 = arith.constant 0 : i32
    %dma_wait3A_273 = tpu.memref_slice %arg13[%dma_wait3A_268, %dma_wait3A_272] : memref<4x128xi32, #tpu.memory_space<vmem>> -> memref<1x128xi32, #tpu.memory_space<vmem>>
    %dma_wait3A_274 = tpu.memref_squeeze %dma_wait3A_273 : memref<1x128xi32, #tpu.memory_space<vmem>> -> memref<128xi32, #tpu.memory_space<vmem>>
    %dma_wait3A_275 = arith.constant 0 : i32
    %dma_wait3A_276 = arith.constant 0 : i32
    %dma_wait3A_277 = tpu.memref_slice %arg6[%dma_wait3A_275, %dma_wait3A_276] : memref<1000000x64xf32, #tpu.memory_space<hbm>> -> memref<1000000x64xf32, #tpu.memory_space<hbm>>
    tpu.wait_indirect_dma semaphore(%arg20 : memref<!tpu.dma_semaphore, #tpu.memory_space<semaphore_mem>>) src(%dma_wait3A_277 : memref<1000000x64xf32, #tpu.memory_space<hbm>>) dst(%dma_wait3A_271 : memref<128x64xf32, #tpu.memory_space<vmem>>)
    %dma_wait3A_278 = arith.constant 1 : i32
    %dma_wait3A_279 = arith.constant 128 : i32
    %dma_wait3A_280 = arith.constant 0 : i32
    %dma_wait3A_281 = tpu.memref_slice %arg16[%dma_wait3A_279, %dma_wait3A_280] : memref<512x64xf32, #tpu.memory_space<vmem>> -> memref<128x64xf32, #tpu.memory_space<vmem>>
    %dma_wait3A_282 = arith.constant 0 : i32
    %dma_wait3A_283 = tpu.memref_slice %arg14[%dma_wait3A_278, %dma_wait3A_282] : memref<4x128xi32, #tpu.memory_space<vmem>> -> memref<1x128xi32, #tpu.memory_space<vmem>>
    %dma_wait3A_284 = tpu.memref_squeeze %dma_wait3A_283 : memref<1x128xi32, #tpu.memory_space<vmem>> -> memref<128xi32, #tpu.memory_space<vmem>>
    %dma_wait3A_285 = arith.constant 0 : i32
    %dma_wait3A_286 = arith.constant 0 : i32
    %dma_wait3A_287 = tpu.memref_slice %arg8[%dma_wait3A_285, %dma_wait3A_286] : memref<100000x64xf32, #tpu.memory_space<hbm>> -> memref<100000x64xf32, #tpu.memory_space<hbm>>
    tpu.wait_indirect_dma semaphore(%arg20 : memref<!tpu.dma_semaphore, #tpu.memory_space<semaphore_mem>>) src(%dma_wait3A_287 : memref<100000x64xf32, #tpu.memory_space<hbm>>) dst(%dma_wait3A_281 : memref<128x64xf32, #tpu.memory_space<vmem>>)
    %dma_wait3A_288 = arith.constant 2 : i32
    %dma_wait3A_289 = arith.constant 256 : i32
    %dma_wait3A_290 = arith.constant 0 : i32
    %dma_wait3A_291 = tpu.memref_slice %arg15[%dma_wait3A_289, %dma_wait3A_290] : memref<512x64xf32, #tpu.memory_space<vmem>> -> memref<128x64xf32, #tpu.memory_space<vmem>>
    %dma_wait3A_292 = arith.constant 0 : i32
    %dma_wait3A_293 = tpu.memref_slice %arg13[%dma_wait3A_288, %dma_wait3A_292] : memref<4x128xi32, #tpu.memory_space<vmem>> -> memref<1x128xi32, #tpu.memory_space<vmem>>
    %dma_wait3A_294 = tpu.memref_squeeze %dma_wait3A_293 : memref<1x128xi32, #tpu.memory_space<vmem>> -> memref<128xi32, #tpu.memory_space<vmem>>
    %dma_wait3A_295 = arith.constant 0 : i32
    %dma_wait3A_296 = arith.constant 0 : i32
    %dma_wait3A_297 = tpu.memref_slice %arg6[%dma_wait3A_295, %dma_wait3A_296] : memref<1000000x64xf32, #tpu.memory_space<hbm>> -> memref<1000000x64xf32, #tpu.memory_space<hbm>>
    tpu.wait_indirect_dma semaphore(%arg20 : memref<!tpu.dma_semaphore, #tpu.memory_space<semaphore_mem>>) src(%dma_wait3A_297 : memref<1000000x64xf32, #tpu.memory_space<hbm>>) dst(%dma_wait3A_291 : memref<128x64xf32, #tpu.memory_space<vmem>>)
    %dma_wait3A_298 = arith.constant 2 : i32
    %dma_wait3A_299 = arith.constant 256 : i32
    %dma_wait3A_300 = arith.constant 0 : i32
    %dma_wait3A_301 = tpu.memref_slice %arg16[%dma_wait3A_299, %dma_wait3A_300] : memref<512x64xf32, #tpu.memory_space<vmem>> -> memref<128x64xf32, #tpu.memory_space<vmem>>
    %dma_wait3A_302 = arith.constant 0 : i32
    %dma_wait3A_303 = tpu.memref_slice %arg14[%dma_wait3A_298, %dma_wait3A_302] : memref<4x128xi32, #tpu.memory_space<vmem>> -> memref<1x128xi32, #tpu.memory_space<vmem>>
    %dma_wait3A_304 = tpu.memref_squeeze %dma_wait3A_303 : memref<1x128xi32, #tpu.memory_space<vmem>> -> memref<128xi32, #tpu.memory_space<vmem>>
    %dma_wait3A_305 = arith.constant 0 : i32
    %dma_wait3A_306 = arith.constant 0 : i32
    %dma_wait3A_307 = tpu.memref_slice %arg8[%dma_wait3A_305, %dma_wait3A_306] : memref<100000x64xf32, #tpu.memory_space<hbm>> -> memref<100000x64xf32, #tpu.memory_space<hbm>>
    tpu.wait_indirect_dma semaphore(%arg20 : memref<!tpu.dma_semaphore, #tpu.memory_space<semaphore_mem>>) src(%dma_wait3A_307 : memref<100000x64xf32, #tpu.memory_space<hbm>>) dst(%dma_wait3A_301 : memref<128x64xf32, #tpu.memory_space<vmem>>)
    %dma_wait3A_308 = arith.constant 3 : i32
    %dma_wait3A_309 = arith.constant 384 : i32
    %dma_wait3A_310 = arith.constant 0 : i32
    %dma_wait3A_311 = tpu.memref_slice %arg15[%dma_wait3A_309, %dma_wait3A_310] : memref<512x64xf32, #tpu.memory_space<vmem>> -> memref<128x64xf32, #tpu.memory_space<vmem>>
    %dma_wait3A_312 = arith.constant 0 : i32
    %dma_wait3A_313 = tpu.memref_slice %arg13[%dma_wait3A_308, %dma_wait3A_312] : memref<4x128xi32, #tpu.memory_space<vmem>> -> memref<1x128xi32, #tpu.memory_space<vmem>>
    %dma_wait3A_314 = tpu.memref_squeeze %dma_wait3A_313 : memref<1x128xi32, #tpu.memory_space<vmem>> -> memref<128xi32, #tpu.memory_space<vmem>>
    %dma_wait3A_315 = arith.constant 0 : i32
    %dma_wait3A_316 = arith.constant 0 : i32
    %dma_wait3A_317 = tpu.memref_slice %arg6[%dma_wait3A_315, %dma_wait3A_316] : memref<1000000x64xf32, #tpu.memory_space<hbm>> -> memref<1000000x64xf32, #tpu.memory_space<hbm>>
    tpu.wait_indirect_dma semaphore(%arg20 : memref<!tpu.dma_semaphore, #tpu.memory_space<semaphore_mem>>) src(%dma_wait3A_317 : memref<1000000x64xf32, #tpu.memory_space<hbm>>) dst(%dma_wait3A_311 : memref<128x64xf32, #tpu.memory_space<vmem>>)
    %dma_wait3A_318 = arith.constant 3 : i32
    %dma_wait3A_319 = arith.constant 384 : i32
    %dma_wait3A_320 = arith.constant 0 : i32
    %dma_wait3A_321 = tpu.memref_slice %arg16[%dma_wait3A_319, %dma_wait3A_320] : memref<512x64xf32, #tpu.memory_space<vmem>> -> memref<128x64xf32, #tpu.memory_space<vmem>>
    %dma_wait3A_322 = arith.constant 0 : i32
    %dma_wait3A_323 = tpu.memref_slice %arg14[%dma_wait3A_318, %dma_wait3A_322] : memref<4x128xi32, #tpu.memory_space<vmem>> -> memref<1x128xi32, #tpu.memory_space<vmem>>
    %dma_wait3A_324 = tpu.memref_squeeze %dma_wait3A_323 : memref<1x128xi32, #tpu.memory_space<vmem>> -> memref<128xi32, #tpu.memory_space<vmem>>
    %dma_wait3A_325 = arith.constant 0 : i32
    %dma_wait3A_326 = arith.constant 0 : i32
    %dma_wait3A_327 = tpu.memref_slice %arg8[%dma_wait3A_325, %dma_wait3A_326] : memref<100000x64xf32, #tpu.memory_space<hbm>> -> memref<100000x64xf32, #tpu.memory_space<hbm>>
    tpu.wait_indirect_dma semaphore(%arg20 : memref<!tpu.dma_semaphore, #tpu.memory_space<semaphore_mem>>) src(%dma_wait3A_327 : memref<100000x64xf32, #tpu.memory_space<hbm>>) dst(%dma_wait3A_321 : memref<128x64xf32, #tpu.memory_space<vmem>>)
    %scan3A_328 = arith.constant 0 : i32
    %scan3A_329 = arith.constant 0 : i32
    %scan3A_330 = arith.constant 32 : i32
    %scan3A_331 = arith.addi %scan3A_329, %scan3A_330 : i32
    %scan3A_332 = arith.constant 1 : i32
    %scan3A_333 = scf.for %scan3A_335 = %scan3A_329 to %scan3A_331 step %scan3A_332 iter_args(%scan3A_336 = %scan3A_328) -> (i32)  : i32 {
      %mul3A_337 = arith.constant 16 : i32
      %mul3A_338 = arith.muli %scan3A_335, %mul3A_337 : i32
      %iota3A = tpu.iota {dimensions = array<i32: 0>} : vector<16xi32>
      %add3A_339 = vector.broadcast %mul3A_338 : i32 to vector<16xi32>
      %add3A_340 = arith.addi %add3A_339, %iota3A : vector<16xi32>
      %scan3A_341 = arith.constant 0 : i32
      %scan3A_342 = arith.constant 16 : i32
      %scan3A_343 = arith.addi %scan3A_341, %scan3A_342 : i32
      %scan3A_344 = arith.constant 1 : i32
      %scan3A_345 = scf.for %scan3A_351 = %scan3A_341 to %scan3A_343 step %scan3A_344 iter_args(%scan3A_352 = %broadcast_in_dim3A_3) -> (vector<16xf32>)  : i32 {
        %broadcast_in_dim3A_353 = arith.constant 0 : i32
        %broadcast_in_dim3A_354 = vector.broadcast %broadcast_in_dim3A_353 : i32 to vector<16xi32>
        %mul3A_355 = arith.constant 4 : i32
        %mul3A_356 = arith.muli %scan3A_351, %mul3A_355 : i32
        %add3A_357 = arith.constant 0 : i32
        %add3A_358 = arith.addi %mul3A_356, %add3A_357 : i32
        %add3A_359 = vector.broadcast %add3A_358 : i32 to vector<16xi32>
        %add3A_360 = arith.addi %broadcast_in_dim3A_354, %add3A_359 : vector<16xi32>
        %gather3A = tpu.vector_load_idx %arg15[%add3A_340, %add3A_360] : memref<512x64xf32, #tpu.memory_space<vmem>>[vector<16xi32>, vector<16xi32>], vector<16xf32>,
        %gather3A_361 = tpu.vector_load_idx %arg16[%add3A_340, %add3A_360] : memref<512x64xf32, #tpu.memory_space<vmem>>[vector<16xi32>, vector<16xi32>], vector<16xf32>,
        %mul3A_362 = arith.mulf %gather3A, %gather3A_361 : vector<16xf32>
        %add3A_363 = arith.addf %scan3A_352, %mul3A_362 : vector<16xf32>
        %broadcast_in_dim3A_364 = arith.constant 0 : i32
        %broadcast_in_dim3A_365 = vector.broadcast %broadcast_in_dim3A_364 : i32 to vector<16xi32>
        %mul3A_366 = arith.constant 4 : i32
        %mul3A_367 = arith.muli %scan3A_351, %mul3A_366 : i32
        %add3A_368 = arith.constant 1 : i32
        %add3A_369 = arith.addi %mul3A_367, %add3A_368 : i32
        %add3A_370 = vector.broadcast %add3A_369 : i32 to vector<16xi32>
        %add3A_371 = arith.addi %broadcast_in_dim3A_365, %add3A_370 : vector<16xi32>
        %gather3A_372 = tpu.vector_load_idx %arg15[%add3A_340, %add3A_371] : memref<512x64xf32, #tpu.memory_space<vmem>>[vector<16xi32>, vector<16xi32>], vector<16xf32>,
        %gather3A_373 = tpu.vector_load_idx %arg16[%add3A_340, %add3A_371] : memref<512x64xf32, #tpu.memory_space<vmem>>[vector<16xi32>, vector<16xi32>], vector<16xf32>,
        %mul3A_374 = arith.mulf %gather3A_372, %gather3A_373 : vector<16xf32>
        %add3A_375 = arith.addf %add3A_363, %mul3A_374 : vector<16xf32>
        %broadcast_in_dim3A_376 = arith.constant 0 : i32
        %broadcast_in_dim3A_377 = vector.broadcast %broadcast_in_dim3A_376 : i32 to vector<16xi32>
        %mul3A_378 = arith.constant 4 : i32
        %mul3A_379 = arith.muli %scan3A_351, %mul3A_378 : i32
        %add3A_380 = arith.constant 2 : i32
        %add3A_381 = arith.addi %mul3A_379, %add3A_380 : i32
        %add3A_382 = vector.broadcast %add3A_381 : i32 to vector<16xi32>
        %add3A_383 = arith.addi %broadcast_in_dim3A_377, %add3A_382 : vector<16xi32>
        %gather3A_384 = tpu.vector_load_idx %arg15[%add3A_340, %add3A_383] : memref<512x64xf32, #tpu.memory_space<vmem>>[vector<16xi32>, vector<16xi32>], vector<16xf32>,
        %gather3A_385 = tpu.vector_load_idx %arg16[%add3A_340, %add3A_383] : memref<512x64xf32, #tpu.memory_space<vmem>>[vector<16xi32>, vector<16xi32>], vector<16xf32>,
        %mul3A_386 = arith.mulf %gather3A_384, %gather3A_385 : vector<16xf32>
        %add3A_387 = arith.addf %add3A_375, %mul3A_386 : vector<16xf32>
        %broadcast_in_dim3A_388 = arith.constant 0 : i32
        %broadcast_in_dim3A_389 = vector.broadcast %broadcast_in_dim3A_388 : i32 to vector<16xi32>
        %mul3A_390 = arith.constant 4 : i32
        %mul3A_391 = arith.muli %scan3A_351, %mul3A_390 : i32
        %add3A_392 = arith.constant 3 : i32
        %add3A_393 = arith.addi %mul3A_391, %add3A_392 : i32
        %add3A_394 = vector.broadcast %add3A_393 : i32 to vector<16xi32>
        %add3A_395 = arith.addi %broadcast_in_dim3A_389, %add3A_394 : vector<16xi32>
        %gather3A_396 = tpu.vector_load_idx %arg15[%add3A_340, %add3A_395] : memref<512x64xf32, #tpu.memory_space<vmem>>[vector<16xi32>, vector<16xi32>], vector<16xf32>,
        %gather3A_397 = tpu.vector_load_idx %arg16[%add3A_340, %add3A_395] : memref<512x64xf32, #tpu.memory_space<vmem>>[vector<16xi32>, vector<16xi32>], vector<16xf32>,
        %mul3A_398 = arith.mulf %gather3A_396, %gather3A_397 : vector<16xf32>
        %add3A_399 = arith.addf %add3A_387, %mul3A_398 : vector<16xf32>
        scf.yield %add3A_399 : vector<16xf32>
      }
      %scan3A_346 = arith.constant 16 : i32
      %mul3A_347 = arith.constant 16 : i32
      %mul3A_348 = arith.muli %scan3A_335, %mul3A_347 : i32
      %swap3A = arith.index_cast %mul3A_348 : i32 to index
      %swap3A_349 = tpu.vector_load %arg17[%swap3A] {strides = array<i32>} : memref<512xf32, #tpu.memory_space<vmem>>, vector<16xf32>,
      tpu.vector_store %arg17[%swap3A], %scan3A_345 {strides = array<i32>} : memref<512xf32, #tpu.memory_space<vmem>>, vector<16xf32>,
      %scan3A_350 = arith.constant 0 : i32
      scf.yield %scan3A_350 : i32
    }
    %scan3A_334 = arith.constant 32 : i32
    "tpu.region"() ({
      %run_scoped3A = tpu.sem_alloc : memref<!tpu.dma_semaphore, #tpu.memory_space<semaphore_mem>>
      %dma_start3A_335 = tpu.memref_slice %arg12[%mul3A_2] : memref<16384xf32, #tpu.memory_space<hbm>> -> memref<512xf32, #tpu.memory_space<hbm>>
      %dma_start3A_336 = tpu.memref_slice %arg12[%mul3A_2] : memref<16384xf32, #tpu.memory_space<hbm>> -> memref<512xf32, #tpu.memory_space<hbm>>
      tpu.enqueue_dma source(%arg17 : memref<512xf32, #tpu.memory_space<vmem>>) target(%dma_start3A_336 : memref<512xf32, #tpu.memory_space<hbm>>) target_semaphore(%run_scoped3A : memref<!tpu.dma_semaphore, #tpu.memory_space<semaphore_mem>>)
      %dma_wait3A_337 = tpu.memref_slice %arg12[%mul3A_2] : memref<16384xf32, #tpu.memory_space<hbm>> -> memref<512xf32, #tpu.memory_space<hbm>>
      %dma_wait3A_338 = tpu.memref_slice %arg12[%mul3A_2] : memref<16384xf32, #tpu.memory_space<hbm>> -> memref<512xf32, #tpu.memory_space<hbm>>
      tpu.wait_dma2 semaphore(%run_scoped3A : memref<!tpu.dma_semaphore, #tpu.memory_space<semaphore_mem>>) src(%arg17 : memref<512xf32, #tpu.memory_space<vmem>>) dst(%dma_wait3A_338 : memref<512xf32, #tpu.memory_space<hbm>>)
      tpu.yield
    }) : () -> ()
    return
  }
}

module attributes {stable_mosaic.version = 14 : i64} {
  func.func @_finish_body(%arg0: memref<128x128xf32, #tpu.memory_space<vmem>>, %arg1: memref<128x128xf32, #tpu.memory_space<vmem>>, %arg2: memref<128x128xf32, #tpu.memory_space<vmem>>, %arg3: memref<128x128xf32, #tpu.memory_space<vmem>>, %arg4: memref<128x128xf32, #tpu.memory_space<vmem>>, %arg5: memref<1x1xf32, #tpu.memory_space<vmem>>) attributes {dimension_semantics = [], scalar_prefetch = 0 : i64, scratch_operands = 0 : i64, tpu.core_type = #tpu.core_type<tc>} {
    %get3A = arith.constant 0 : index
    %get3A_0 = arith.constant 0 : index
    %get3A_1 = vector.load %arg2[%get3A, %get3A_0] : memref<128x128xf32, #tpu.memory_space<vmem>>, vector<128x128xf32>
    %sqrt3A = math.sqrt %get3A_1 : vector<128x128xf32>
    %max3A = arith.constant 9.99999996E-13 : f32
    %max3A_2 = vector.broadcast %max3A : f32 to vector<128x128xf32>
    %max3A_3 = arith.maximumf %sqrt3A, %max3A_2 : vector<128x128xf32>
    %get3A_4 = arith.constant 0 : index
    %get3A_5 = arith.constant 0 : index
    %get3A_6 = vector.load %arg3[%get3A_4, %get3A_5] : memref<128x128xf32, #tpu.memory_space<vmem>>, vector<128x128xf32>
    %sqrt3A_7 = math.sqrt %get3A_6 : vector<128x128xf32>
    %max3A_8 = arith.constant 9.99999996E-13 : f32
    %max3A_9 = vector.broadcast %max3A_8 : f32 to vector<128x128xf32>
    %max3A_10 = arith.maximumf %sqrt3A_7, %max3A_9 : vector<128x128xf32>
    %get3A_11 = arith.constant 0 : index
    %get3A_12 = arith.constant 0 : index
    %get3A_13 = vector.load %arg1[%get3A_11, %get3A_12] : memref<128x128xf32, #tpu.memory_space<vmem>>, vector<128x128xf32>
    %mul3A = arith.mulf %max3A_3, %max3A_10 : vector<128x128xf32>
    %div3A = arith.divf %get3A_13, %mul3A : vector<128x128xf32>
    %logistic3A = arith.negf %div3A : vector<128x128xf32>
    %logistic3A_14 = math.exp %logistic3A : vector<128x128xf32>
    %logistic3A_15 = arith.constant 1.000000e+00 : f32
    %logistic3A_16 = vector.broadcast %logistic3A_15 : f32 to vector<128x128xf32>
    %logistic3A_17 = arith.addf %logistic3A_16, %logistic3A_14 : vector<128x128xf32>
    %logistic3A_18 = arith.divf %logistic3A_16, %logistic3A_17 : vector<128x128xf32>
    %get3A_19 = arith.constant 0 : index
    %get3A_20 = arith.constant 0 : index
    %get3A_21 = vector.load %arg0[%get3A_19, %get3A_20] : memref<128x128xf32, #tpu.memory_space<vmem>>, vector<128x128xf32>
    %log3A = math.log %logistic3A_18 : vector<128x128xf32>
    %mul3A_22 = arith.mulf %get3A_21, %log3A : vector<128x128xf32>
    %sub3A = arith.constant 1.000000e+00 : f32
    %sub3A_23 = vector.broadcast %sub3A : f32 to vector<128x128xf32>
    %sub3A_24 = arith.subf %sub3A_23, %get3A_21 : vector<128x128xf32>
    %sub3A_25 = arith.constant 1.000000e+00 : f32
    %sub3A_26 = vector.broadcast %sub3A_25 : f32 to vector<128x128xf32>
    %sub3A_27 = arith.subf %sub3A_26, %logistic3A_18 : vector<128x128xf32>
    %log3A_28 = math.log %sub3A_27 : vector<128x128xf32>
    %mul3A_29 = arith.mulf %sub3A_24, %log3A_28 : vector<128x128xf32>
    %add3A = arith.addf %mul3A_22, %mul3A_29 : vector<128x128xf32>
    %reduce_sum3A = vector.shape_cast %add3A : vector<128x128xf32> to vector<1x128x128xf32>
    %reduce_sum3A_30 = arith.constant dense<0.000000e+00> : vector<1xf32>
    %reduce_sum3A_31 = vector.multi_reduction <add>, %reduce_sum3A, %reduce_sum3A_30 [1, 2] : vector<1x128x128xf32> to vector<1xf32>
    %reduce_sum3A_32 = vector.shape_cast %reduce_sum3A_31 : vector<1xf32> to vector<1x1x1xf32>
    %reduce_sum3A_33 = vector.extract %reduce_sum3A_32[0, 0, 0] : f32 from vector<1x1x1xf32>
    %div3A_34 = arith.constant 1.638400e+04 : f32
    %div3A_35 = arith.divf %reduce_sum3A_33, %div3A_34 : f32
    %neg3A = arith.constant 0.000000e+00 : f32
    %neg3A_36 = arith.subf %neg3A, %div3A_35 : f32
    %get3A_37 = arith.constant 0 : index
    %get3A_38 = arith.constant 0 : index
    %get3A_39 = vector.load %arg4[%get3A_37, %get3A_38] : memref<128x128xf32, #tpu.memory_space<vmem>>, vector<128x128xf32>
    %jit3A = arith.constant -1.500000e+01 : f32
    %jit3A_40 = arith.constant 1.500000e+01 : f32
    %max3A_41 = vector.broadcast %jit3A : f32 to vector<128x128xf32>
    %max3A_42 = arith.maximumf %max3A_41, %get3A_39 : vector<128x128xf32>
    %min3A = vector.broadcast %jit3A_40 : f32 to vector<128x128xf32>
    %min3A_43 = arith.minimumf %min3A, %max3A_42 : vector<128x128xf32>
    %logistic3A_44 = arith.negf %min3A_43 : vector<128x128xf32>
    %logistic3A_45 = math.exp %logistic3A_44 : vector<128x128xf32>
    %logistic3A_46 = arith.constant 1.000000e+00 : f32
    %logistic3A_47 = vector.broadcast %logistic3A_46 : f32 to vector<128x128xf32>
    %logistic3A_48 = arith.addf %logistic3A_47, %logistic3A_45 : vector<128x128xf32>
    %logistic3A_49 = arith.divf %logistic3A_47, %logistic3A_48 : vector<128x128xf32>
    %log3A_50 = math.log %logistic3A_49 : vector<128x128xf32>
    %reduce_sum3A_51 = vector.shape_cast %log3A_50 : vector<128x128xf32> to vector<1x128x128xf32>
    %reduce_sum3A_52 = arith.constant dense<0.000000e+00> : vector<1xf32>
    %reduce_sum3A_53 = vector.multi_reduction <add>, %reduce_sum3A_51, %reduce_sum3A_52 [1, 2] : vector<1x128x128xf32> to vector<1xf32>
    %reduce_sum3A_54 = vector.shape_cast %reduce_sum3A_53 : vector<1xf32> to vector<1x1x1xf32>
    %reduce_sum3A_55 = vector.extract %reduce_sum3A_54[0, 0, 0] : f32 from vector<1x1x1xf32>
    %div3A_56 = arith.constant 1.638400e+04 : f32
    %div3A_57 = arith.divf %reduce_sum3A_55, %div3A_56 : f32
    %neg3A_58 = arith.constant 0.000000e+00 : f32
    %neg3A_59 = arith.subf %neg3A_58, %div3A_57 : f32
    %mul3A_60 = arith.constant 1.000000e-01 : f32
    %mul3A_61 = arith.mulf %mul3A_60, %neg3A_59 : f32
    %add3A_62 = arith.addf %neg3A_36, %mul3A_61 : f32
    %reshape3A = vector.broadcast %add3A_62 : f32 to vector<1x1xf32>
    %swap3A = arith.constant 0 : index
    %swap3A_63 = arith.constant 0 : index
    %swap3A_64 = vector.load %arg5[%swap3A, %swap3A_63] : memref<1x1xf32, #tpu.memory_space<vmem>>, vector<1x1xf32>
    tpu.vector_store %arg5[%swap3A, %swap3A_63], %reshape3A {strides = array<i32>} : memref<1x1xf32, #tpu.memory_space<vmem>>, vector<1x1xf32>,
    return
  }
}

</mosaic_0001>

<sc_bundles>
// kernel: kernel.4.cloned.1.call-start
scs
__scs_entry_jumppad:
0x0: {  	(pc) =	sbr.rel $0x88, $3  }
0x1: {  	(tag) =	ssettag $0x0;
	lr =	simm.s32 $0x1  }
0x2: {  	[smem:$0x3F99] =	sst lr;
	_ =	strace $0xD0000000  }
0x3: {  	_ = 	snop  }
0x4: {  	_ = 	snop  }
0x5: {  	_ = 	snop  }
0x6: {  	_ = 	snop  }
0x7: {  	_ = 	snop  }
__scs_overlays_trampoline_lowered:
0x8: {  	[smem:$0x3FA8] =	sst s0  }
0x9: {  	[smem:$0x3FA9] =	sst s1  }
0xa: {  	[smem:$0x3FAA] =	sst s2  }
0xb: {  	[smem:$0x3FAB] =	sst s3  }
0xc: {  	[smem:$0x3FAC] =	sst s4  }
0xd: {  	[smem:$0x3FAD] =	sst s5  }
0xe: {  	[smem:$0x3FAE] =	sst s6  }
0xf: {  	[smem:$0x3FAF] =	sst s7  }
0x10: {  	[smem:$0x3FB0] =	sst s8  }
0x11: {  	[smem:$0x3FB1] =	sst s9;
	s0 =	simm.s32 @!p0 $0x0  }
0x12: {  	s1 =	sld [smem:$0x3F97];
	s0 =	simm.s32 @p0 $0x1  }
0x13: {  	[smem:$0x3FB2] =	sst s0;
	s0 =	simm.s32 @!p1 $0x0  }
0x14: {  	s2 =	sld [smem:$0x3F96];
	s0 =	simm.s32 @p1 $0x1  }
0x15: {  	[smem:$0x3FB3] =	sst s0;
	s0 =	simm.s32 @!p2 $0x0  }
0x16: {  	s3 =	sld [smem:$0x3FDB];
	s0 =	simm.s32 @p2 $0x1  }
0x17: {  	s4 =	simm.s32 $0x1BF5;
	[smem:$0x3FB5] =	sst s0  }
0x18: {  	s0 =	sld [smem:$0x3F98];
	_ =	swait.ge [sflag:s4], $0x0  }
0x19: {  	s7 =	sld [smem:$0x3F99]  }
0x1a: {  	s8 =	sadd.s32 $0xFFFFE003, lr  }
0x1b: {  	s9 =	sadd.s32 $0xFFFFFEF7, lr;
	s5 =	simm.s32 $0xFFFFFFFF;
	p2 =	slt.u32 s8, $0xFFFFF086  }
0x1c: {  	p1 =	slt.u32 s9, $0xF7A;
	s5 =	simm.s32 @!p2 $0x0  }
0x1d: {  	s5 =	simm.s32 @p1 $0x1;
	p0 =	seq.s32 s7, s2  }
0x1e: {  	s7 =	smul.u32 @!p0 $0xF7A, s2;
	p2 =	seq.s32 @!p0 s5, $0x0  }
0x1f: {  	s9 =	smul.u32 $0xF7A, s1;
	s8 =	simm.s32 @!p0 $0x1BF5;
	p2 =	por !p2, p0  }
0x20: {  	[sflag:s8] =	ssyncset.s32 @!p0 $0xFFFFF086;
	s6 =	sadd.s32 @!p0 s3, s7;
	s7 =	simm.s32 @!p0 $0x108  }
0x21: {  	s3 =	sadd.s32 s3, s9;
	s6 =	sadd.s32 @!p0 $0x88, s6;
	s7 =	simm.s32 @p2 $0x1082  }
0x22: {  	[simem:s7], [sflag:s8] =	dma.local @!p0 [hbm:s6], $0xF7A  }
0x23: {  	s9 =	sor.u32 $0xD0000000, s2;
	s6 =	simm.s32 $0x108;
	_ =	swait.ge @!p0 [sflag:s8], $0x0  }
0x24: {  	s3 =	sadd.s32 $0x88, s3;
	s6 =	simm.s32 @!p1 $0x1082;
	[sflag:s4] =	ssyncset.s32 $0xFFFFF086  }
0x25: {  	[simem:s6], [sflag:s4] =	dma.local [hbm:s3], $0xF7A  }
0x26: {  	[smem:$0x3F99] =	sst s1;
	(tag) =	ssettag s2;
	_ =	strace s9  }
0x27: {  	s1 =	sld [smem:$0x3FA9]  }
0x28: {  	s2 =	sld [smem:$0x3FAA]  }
0x29: {  	s4 =	sld [smem:$0x3FAC]  }
0x2a: {  	p0 =	seq.s32 s5, $0x0;
	s5 =	sld [smem:$0x3FAD]  }
0x2b: {  	s6 =	sld [smem:$0x3FAE]  }
0x2c: {  	s7 =	sld [smem:$0x3FAF]  }
0x2d: {  	s3 =	simm.s32 $0x108;
	s8 =	sld [smem:$0x3FB0]  }
0x2e: {  	s3 =	simm.s32 @!p0 $0x1082;
	s9 =	sld [smem:$0x3FB1]  }
0x2f: {  	lr =	sadd.s32 s0, s3;
	s0 =	sld [smem:$0x3FA8]  }
0x30: {  	s3 =	sld [smem:$0x3FAB]  }
0x31: {  	[smem:$0x3FB4] =	sst s10  }
0x32: {  	s10 =	sld [smem:$0x3FB2];
	_ =	sdelay $0x3  }
0x33: {  	p0 =	seq.s32 s10, $0x1;
	s10 =	sld [smem:$0x3FB4];
	_ =	sdelay $0x3  }
0x34: {  	[smem:$0x3FB4] =	sst s10  }
0x35: {  	s10 =	sld [smem:$0x3FB3];
	_ =	sdelay $0x3  }
0x36: {  	p1 =	seq.s32 s10, $0x1;
	s10 =	sld [smem:$0x3FB4];
	_ =	sdelay $0x3  }
0x37: {  	[smem:$0x3FB4] =	sst s10  }
0x38: {  	s10 =	sld [smem:$0x3FB5]  }
0x39: {  	_ = 	snop;
	(pc) =	sbr.ind lr, $3  }
0x3a: {  	_ = 	snop  }
0x3b: {  	_ = 	snop  }
0x3c: {  	p2 =	seq.s32 s10, $0x1;
	s10 =	sld [smem:$0x3FB4]  }
0x3d: {  	_ =	shalt  }
0x3e: {  	_ =	shalt  }
0x3f: {  	_ =	shalt  }
0x40: {  	_ =	shalt  }
0x41: {  	_ =	shalt  }
0x42: {  	_ =	shalt  }
0x43: {  	_ =	shalt  }
0x44: {  	_ =	shalt  }
0x45: {  	_ =	shalt  }
0x46: {  	_ =	shalt  }
0x47: {  	_ =	shalt  }
0x48: {  	_ =	shalt  }
0x49: {  	_ =	shalt  }
0x4a: {  	_ =	shalt  }
0x4b: {  	_ =	shalt  }
0x4c: {  	_ =	shalt  }
0x4d: {  	_ =	shalt  }
0x4e: {  	_ =	shalt  }
0x4f: {  	_ =	shalt  }
0x50: {  	_ =	shalt  }
0x51: {  	_ =	shalt  }
0x52: {  	_ =	shalt  }
0x53: {  	_ =	shalt  }
0x54: {  	_ =	shalt  }
0x55: {  	_ =	shalt  }
0x56: {  	_ =	shalt  }
0x57: {  	_ =	shalt  }
0x58: {  	_ =	shalt  }
0x59: {  	_ =	shalt  }
0x5a: {  	_ =	shalt  }
0x5b: {  	_ =	shalt  }
0x5c: {  	_ =	shalt  }
0x5d: {  	_ =	shalt  }
0x5e: {  	_ =	shalt  }
0x5f: {  	_ =	shalt  }
0x60: {  	_ =	shalt  }
0x61: {  	_ =	shalt  }
0x62: {  	_ =	shalt  }
0x63: {  	_ =	shalt  }
0x64: {  	_ =	shalt  }
0x65: {  	_ =	shalt  }
0x66: {  	_ =	shalt  }
0x67: {  	_ =	shalt  }
0x68: {  	_ =	shalt  }
0x69: {  	_ =	shalt  }
0x6a: {  	_ =	shalt  }
0x6b: {  	_ =	shalt  }
0x6c: {  	_ =	shalt  }
0x6d: {  	_ =	shalt  }
0x6e: {  	_ =	shalt  }
0x6f: {  	_ =	shalt  }
0x70: {  	_ =	shalt  }
0x71: {  	_ =	shalt  }
0x72: {  	_ =	shalt  }
0x73: {  	_ =	shalt  }
0x74: {  	_ =	shalt  }
0x75: {  	_ =	shalt  }
0x76: {  	_ =	shalt  }
0x77: {  	_ =	shalt  }
0x78: {  	_ =	shalt  }
0x79: {  	_ =	shalt  }
0x7a: {  	_ =	shalt  }
0x7b: {  	_ =	shalt  }
0x7c: {  	_ =	shalt  }
0x7d: {  	_ =	shalt  }
0x7e: {  	_ =	shalt  }
0x7f: {  	_ =	shalt  }
0x80: {  	_ =	shalt  }
0x81: {  	_ =	shalt  }
0x82: {  	_ =	shalt  }
0x83: {  	_ =	shalt  }
0x84: {  	_ =	shalt  }
0x85: {  	_ =	shalt  }
0x86: {  	_ =	shalt  }
0x87: {  	_ =	shalt  }
.Lfunc_end0:
.L_simem_size_0:
called_computation_lowered:
.L_overlay_start_0:
0x88: {  	s2 =	sld [smem:$0x3FD9]  }
0x89: {  	s3 =	sld [smem:$0x3FFE];
	_ =	sdelay $0x1  }
0x8a: {  	s1 =	srdreg.scid  }
0x8b: {  	s0 =	sand.u32 $0x1, s1  }
0x8c: {  	s17 =	sshll.u32 s0, $0xA;
	s2 =	sadd.s32 s3, s2  }
0x8d: {  	s2 =	sadd.s32 s2, s17  }
0x8e: {  	[smem:$0x3FC0] =	sst s2  }
0x8f: {  	_ = 	snop  }
0x90: {  	s2 =	sld [smem:$0x3FC9]  }
0x91: {  	s18 =	sld [smem:$0x3FC8]  }
0x92: {  	s4 =	sld [smem:$0x3FC6]  }
0x93: {  	s5 =	sld [smem:$0x3FC5];
	(tm) =	ssettm $0x1  }
0x94: {  	s6 =	sld [smem:$0x3FFB];
	_ =	sdelay $0x3  }
0x95: {  	_ =	strace s6  }
0x96: {  	s6 =	sld [smem:$0x3FFC];
	_ =	sdelay $0x3  }
0x97: {  	_ =	strace s6  }
0x98: {  	s6 =	sld [smem:$0x3FFD];
	_ =	sdelay $0x3  }
0x99: {  	_ =	strace s6  }
0x9a: {  	_ =	strace $0x8FFFFFFF  }
0x9b: {  	s19 =	sld [smem:$0x3FDB];
	_ =	sdelay $0x1  }
0x9c: {  	s7 =	simm.s32 $_scs_section_size  }
0x9d: {  	s8 =	simm.s32 $_size__tile_overlayer_lowered;
	s9 =	simm.s32 $_tile_overlayer_lowered  }
0x9e: {  	s22 =	simm.s32 $0x1BFF;
	s21 =	sshll.u32 s9, $0x1;
	s6 =	sadd.s32 s7, s19  }
0x9f: {  	s10 =	simm.s32 $0x0;
	s20 =	sshll.u32 s8, $0x1;
	s8 =	sadd.s32 s21, s6  }
0xa0: {  	[timem:s10], [sflag:s22] =	dma.local [hbm:s8], s20  }
0xa1: {  	_ =	swait.ge [sflag:s22], s20  }
0xa2: {  	s7 =	ssub.s32 $0x0, s20;
	[sflag:s22] =	ssyncset.done $0x0  }
0xa3: {  	[sflag:s22] =	ssyncadd.s32 s7;
	_ =	sdelay $0x1  }
0xa4: {  	s23 =	simm.s32 $0x1B8B  }
0xa5: {  	_ =	swait.ge [sflag:s23], $0x1  }
0xa6: {  	[sflag:s23] =	ssyncset.done $0x0  }
0xa7: {  	s25 =	simm.s32 $0x1B8E;
	s24 =	sld [smem:$0x3FFE];
	[sflag:s23] =	ssyncadd.s32 $0xFFFFFFFF  }
0xa8: {  	s26 =	simm.s32 $execute0_lowered;
	[smem:$0x3FD2] =	sst s25  }
0xa9: {  	s8 =	sshll.u32 s26, $0x1;
	_ =	strace $0x80000046;
	[dreg:$0x1] =	wrdreg $0xFFFFFFFF  }
0xaa: {  	s28 =	simm.s32 $_size_execute0_lowered;
	s6 =	sadd.s32 s6, s8;
	[dreg:$0x0] =	wrdreg $0x0  }
0xab: {  	s8 =	sshll.u32 s28, $0x1;
	[dreg:$0x2] =	wrdreg s6  }
0xac: {  	[dreg:$0x3] =	wrdreg s8  }
0xad: {  	[dreg:$0x4] =	wrdreg $0xC0  }
0xae: {  	_ =	task [dreg:s10], $0x5FFFF  }
0xaf: {  	[dreg:$0x1] =	wrdreg $0xFFFFFFFF  }
0xb0: {  	[dreg:$0x0] =	wrdreg $0x60  }
0xb1: {  	[dreg:$0x2] =	wrdreg s2  }
0xb2: {  	[dreg:$0x3] =	wrdreg s18  }
0xb3: {  	[dreg:$0x4] =	wrdreg s5  }
0xb4: {  	[dreg:$0x5] =	wrdreg s4  }
0xb5: {  	[dreg:$0x6] =	wrdreg s24  }
0xb6: {  	[dreg:$0x7] =	wrdreg $0x9  }
0xb7: {  	_ =	task.clear_ibuf [dreg:s10], $0x8FFFF;
	_ =	strace $0x90000046  }
0xb8: {  	s29 =	simm.s32 $0x9;
	_ =	strace $0x80000048  }
0xb9: {  	_ =	swait.ge [sflag:s29], $0x1  }
0xba: {  	[sflag:s29] =	ssyncadd.s32 $0xFFFFFFFF  }
0xbb: {  	_ =	strace $0x90000048  }
0xbc: {  	_ =	sfence  }
0xbd: {  	s30 =	sld [smem:$0x0];
	_ =	sdelay $0x2  }
0xbe: {  	s31 =	sshll.u32 s1, $0xD;
	s1 =	sshrl.u32 s1, $0x2  }
0xbf: {  	s3 =	sand.u32 $0x4000, s31;
	s1 =	sadd.s32 s1, s30  }
0xc0: {  	s0 =	sor.u32 s3, s0;
	s1 =	sshll.u32 s1, $0x11  }
0xc1: {  	s0 =	sor.u32 s1, s0  }
0xc2: {  	s0 =	sadd.s32 $0x8F2B, s0  }
0xc3: {  	[sflag:s0] =	ssyncadd.remote.s32 $0x1  }
0xc4: {  	_ =	sfence.sel $0xFFFF  }
0xc5: {  	[dreg:$0x0] =	wrdreg $0xFFFFFFFF;
	(pc) =	sbr.abs _section_cstart, $3  }
0xc6: {  	[dreg:$0x1] =	wrdreg $0xFFFFFFFF  }
0xc7: {  	_ =	task.clear_ibuf [dreg:s10], $0x2FFFF;
	_ =	strace $0x9FFFFFFF  }
0xc8: {  	(tm) =	ssettm $0x7FFFFFFF  }
0xc9: {  	_ =	shalt  }
tec
execute0_lowered:
.L_overlay_start_1:
0x0: {  	(tag) =	ssettag $0x1  }
0x1: {  	s0 =	rddreg [dreg:$0x0]  }
0x2: {  	s2 =	rddreg [dreg:$0x1]  }
0x3: {  	s6 =	rddreg [dreg:$0x2]  }
0x4: {  	s7 =	rddreg [dreg:$0x3]  }
0x5: {  	s8 =	rddreg [dreg:$0x4]  }
0x6: {  	s1 =	simm.s32 $0x0;
	s4 =	srdreg.scid;
	s5 =	stileid.u32  }
0x7: {  	s15 =	simm.s32 $0x2;
	s16 =	simm.s32 $0x200;
	s17 =	simm.s32 $0x80  }
0x8: {  	s18 =	simm.s32 $0x400;
	s19 =	simm.s32 $0x8400;
	s20 =	simm.s32 $0x2400  }
0x9: {  	s28 =	simm.s32 $0x180;
	s29 =	simm.s32 $0x6400;
	s30 =	simm.s32 $0x380  }
0xa: {  	s31 =	simm.s32 $0xE400;
	[smem:$0x7FF] =	sst s1;
	s3 =	sadd.s32 $0x16E4A00, s8  }
0xb: {  	s4 =	sand.u32 $0x1, s4;
	s5 =	sshll.u32 s5, $0x7;
	_ =	strace $0x80000047  }
0xc: {  	s9 =	sshll.u32 s4, $0x6;
	s10 =	ssub.s32 $0x2, s4;
	s4 =	sadd.s32 $0xF43800, s8  }
0xd: {  	s9 =	sor.u32 s9, s5;
	s11 =	sshrl.u32 s10, $0x1;
	s5 =	sadd.s32 $0x187E00, s8  }
0xe: {  	s8 =	sadd.s32 s9, s8;
	s10 =	ssub.s32 s10, s11;
	s0 =	sadd.s32 s0, s9  }
0xf: {  	s21 =	sadd.s32 s2, s9;
	s25 =	sadd.s32 s6, s9;
	[dreg:$0x6] =	wrdreg s0  }
0x10: {  	s26 =	sadd.s32 s7, s9;
	s2 =	simm.s32 $0x10400;
	[dreg:$0x7] =	wrdreg s21  }
0x11: {  	s6 =	simm.s32 $0x0;
	s22 =	sadd.s32 $0x1400, s8;
	[dreg:$0xb] =	wrdreg s25  }
0x12: {  	s23 =	sadd.s32 $0x1C00, s8;
	s24 =	sadd.s32 $0x2400, s8;
	[dreg:$0xc] =	wrdreg s26  }
0x13: {  	s13 =	sadd.s32 $0x2C00, s8;
	s14 =	smax.u32 s10, $0x1;
	[dreg:$0x8] =	wrdreg s22  }
0x14: {  	s21 =	simm.s32 $0x280;
	s25 =	simm.s32 $0x300;
	[dreg:$0x9] =	wrdreg s23  }
0x15: {  	v0 =	vlaneseq.u32;
	s26 =	simm.s32 $0xC400;
	s0 =	simm.s32 $0x1;
	[dreg:$0xa] =	wrdreg s24  }
0x16: {  	v0 =	vmul.u32 $0x40, v0;
	s22 =	simm.s32 $0xA400;
	s23 =	simm.s32 $0x100;
	s24 =	simm.s32 $0x4400  }
.LBB2_1:
0x17: {  	s7 =	rddreg [dreg:$0x6]  }
0x18: {  	[tilespmem:s1], [sflag:$0x2] =	stream.linear.gather [hbm4b:s7+s1], $0x200, $0x38;
	[tilespmem:$0x10A00] =	vst v63  }
0x19: {  	_ =	swait.ge [sflag:s15], $0x200  }
0x1a: {  	[sflag:s15] =	ssyncset.done $0x0  }
0x1b: {  	s12 =	rddreg [dreg:$0x7];
	[sflag:s15] =	ssyncadd.s32 $0xFFFFFE00  }
0x1c: {  	[tilespmem:s16], [sflag:$0x2] =	stream.linear.gather [hbm4b:s12+s1], $0x200, $0x38;
	[tilespmem:$0x10A00] =	vst v63  }
0x1d: {  	_ =	swait.ge [sflag:s15], $0x200  }
0x1e: {  	[sflag:s15] =	ssyncset.done $0x0  }
0x1f: {  	[sflag:s15] =	ssyncadd.s32 $0xFFFFFE00  }
0x20: {  	[tilespmem:s18], [sflag:$0x1] =	stream.indirect.gather [hbm4b:s3+s17], $0x40, s1, s17, $0xb8;
	[tilespmem:$0x10A00] =	vst v63  }
0x21: {  	_ = 	snop  }
0x22: {  	[tilespmem:s19], [sflag:$0x1] =	stream.indirect.gather [hbm4b:s4+s17], $0x40, s16, s17, $0xb8;
	[tilespmem:$0x10A00] =	vst v63  }
0x23: {  	_ = 	snop  }
0x24: {  	[tilespmem:s20], [sflag:$0x1] =	stream.indirect.gather [hbm4b:s3+s17], $0x40, s17, s17, $0xb8;
	[tilespmem:$0x10A00] =	vst v63  }
0x25: {  	_ = 	snop  }
0x26: {  	[tilespmem:s22], [sflag:$0x1] =	stream.indirect.gather [hbm4b:s4+s17], $0x40, s21, s17, $0xb8;
	[tilespmem:$0x10A00] =	vst v63  }
0x27: {  	_ = 	snop  }
0x28: {  	[tilespmem:s24], [sflag:$0x1] =	stream.indirect.gather [hbm4b:s3+s17], $0x40, s23, s17, $0xb8;
	[tilespmem:$0x10A00] =	vst v63  }
0x29: {  	_ = 	snop  }
0x2a: {  	[tilespmem:s26], [sflag:$0x1] =	stream.indirect.gather [hbm4b:s4+s17], $0x40, s25, s17, $0xb8;
	[tilespmem:$0x10A00] =	vst v63  }
0x2b: {  	_ = 	snop  }
0x2c: {  	[tilespmem:s29], [sflag:$0x1] =	stream.indirect.gather [hbm4b:s3+s17], $0x40, s28, s17, $0xb8;
	[tilespmem:$0x10A00] =	vst v63  }
0x2d: {  	_ = 	snop  }
0x2e: {  	[tilespmem:s31], [sflag:$0x1] =	stream.indirect.gather [hbm4b:s4+s17], $0x40, s30, s17, $0xb8;
	[tilespmem:$0x10A00] =	vst v63  }
0x2f: {  	_ =	swait.ge [sflag:s0], $0x2000  }
0x30: {  	[sflag:s0] =	ssyncset.done $0x0  }
0x31: {  	[sflag:s0] =	ssyncadd.s32 $0xFFFFE000  }
0x32: {  	_ =	swait.ge [sflag:s0], $0x2000  }
0x33: {  	[sflag:s0] =	ssyncset.done $0x0  }
0x34: {  	[sflag:s0] =	ssyncadd.s32 $0xFFFFE000  }
0x35: {  	_ =	swait.ge [sflag:s0], $0x2000  }
0x36: {  	[sflag:s0] =	ssyncset.done $0x0  }
0x37: {  	[sflag:s0] =	ssyncadd.s32 $0xFFFFE000  }
0x38: {  	_ =	swait.ge [sflag:s0], $0x2000  }
0x39: {  	[sflag:s0] =	ssyncset.done $0x0  }
0x3a: {  	[sflag:s0] =	ssyncadd.s32 $0xFFFFE000  }
0x3b: {  	_ =	swait.ge [sflag:s0], $0x2000  }
0x3c: {  	[sflag:s0] =	ssyncset.done $0x0  }
0x3d: {  	[sflag:s0] =	ssyncadd.s32 $0xFFFFE000  }
0x3e: {  	_ =	swait.ge [sflag:s0], $0x2000  }
0x3f: {  	[sflag:s0] =	ssyncset.done $0x0  }
0x40: {  	[sflag:s0] =	ssyncadd.s32 $0xFFFFE000  }
0x41: {  	_ =	swait.ge [sflag:s0], $0x2000  }
0x42: {  	[sflag:s0] =	ssyncset.done $0x0  }
0x43: {  	[sflag:s0] =	ssyncadd.s32 $0xFFFFE000  }
0x44: {  	_ =	swait.ge [sflag:s0], $0x2000  }
0x45: {  	[sflag:s0] =	ssyncset.done $0x0  }
0x46: {  	s7 =	simm.s32 $0x0;
	[sflag:s0] =	ssyncadd.s32 $0xFFFFE000  }
.LBB2_2:
0x47: {  	s9 =	simm.s32 $0x0  }
0x48: {  	s8 =	sshll.u32 s7, $0x4;
	v1 =	vmov s9  }
0x49: {  	s12 =	simm.s32 $0x1;
	v2 =	vmov s8;
	v1 =	vand.u32 $0x3C, v1  }
0x4a: {  	v3 =	vmov s12;
	v2 =	vshll.u32 v2, $0x6;
	v4 =	vbroadcast v1, $0x0  }
0x4b: {  	s11 =	simm.s32 $0x3;
	v1 =	vor.u32 v0, v2;
	v2 =	vand.u32 $0x3D, v3  }
0x4c: {  	s10 =	simm.s32 $0x2;
	v5 =	vmov s11;
	v2 =	vbroadcast v2, $0x0;
	v4 =	vor.u32 v1, v4  }
0x4d: {  	v5 =	vand.u32 $0x3F, v5;
	v3 =	vmov s10  }
0x4e: {  	v5 =	vbroadcast v5, $0x0;
	v3 =	vand.u32 $0x3E, v3;
	v2 =	vor.u32 v1, v2  }
0x4f: {  	v3 =	vbroadcast v3, $0x0  }
0x50: {  	v11 =	vor.u32 v1, v5  }
0x51: {  	v7 =	vor.u32 v1, v3;
	v3 =	vld.idx.msk [tilespmem:v4+s18+$0x0], $0xffff  }
0x52: {  	s12 =	simm.s32 $0x4;
	s11 =	simm.s32 $0x6;
	s10 =	simm.s32 $0x5;
	v4 =	vld.idx.msk [tilespmem:v4+s19+$0x0], $0xffff  }
0x53: {  	v6 =	vmov s12;
	s12 =	simm.s32 $0x7;
	v10 =	vmov s11;
	v9 =	vmov s10;
	v5 =	vld.idx.msk [tilespmem:v2+s18+$0x0], $0xffff  }
0x54: {  	v13 =	vmov s12;
	v9 =	vand.u32 $0x3D, v9;
	v8 =	vld.idx.msk [tilespmem:v2+s19+$0x0], $0xffff;
	v2 =	vand.u32 $0x3C, v6  }
0x55: {  	v10 =	vand.u32 $0x3E, v10;
	v16 =	vbroadcast v9, $0x0;
	v9 =	vld.idx.msk [tilespmem:v11+s18+$0x0], $0xffff;
	v2 =	vbroadcast v2, $0x0  }
0x56: {  	v12 =	vimm.f32 $0.0e+00;
	v14 =	vbroadcast v10, $0x0;
	v13 =	vand.u32 $0x3F, v13;
	v6 =	vld.idx.msk [tilespmem:v7+s18+$0x0], $0xffff  }
0x57: {  	v15 =	vimm.f32 $0.0e+00;
	v10 =	vld.idx.msk [tilespmem:v7+s19+$0x0], $0xffff;
	v7 =	vbroadcast v13, $0x0;
	v13 =	vor.u32 v1, v2  }
0x58: {  	s9 =	simm.s32 $0x8;
	v11 =	vld.idx.msk [tilespmem:v11+s19+$0x0], $0xffff;
	v2 =	vor.u32 v1, v14;
	v14 =	vimm.f32 $0.0e+00;
	v17 =	vmul.f32 v4, v3  }
.LBB2_3:
0x59: {  	p0 =	sne.s32 s9, $0x3C;
	v16 =	vor.u32 v1, v16;
	v3 =	vmul.f32 v3, v3;
	v4 =	vmul.f32 v4, v4  }
0x5a: {  	v12 =	vadd.f32 v17, v12;
	v17 =	vmul.f32 v8, v5;
	v5 =	vmul.f32 v5, v5  }
0x5b: {  	v8 =	vmul.f32 v8, v8;
	v3 =	vadd.f32 v3, v14;
	v4 =	vadd.f32 v4, v15  }
0x5c: {  	v14 =	vmul.f32 v10, v6;
	v6 =	vmul.f32 v6, v6;
	v12 =	vadd.f32 v17, v12  }
0x5d: {  	v5 =	vadd.f32 v5, v3;
	v4 =	vadd.f32 v8, v4;
	v8 =	vmul.f32 v10, v10  }
0x5e: {  	v10 =	vadd.f32 v14, v12;
	v12 =	vmul.f32 v11, v9;
	v9 =	vmul.f32 v9, v9  }
0x5f: {  	v11 =	vmul.f32 v11, v11;
	v3 =	vld.idx.msk [tilespmem:v13+s18+$0x0], $0xffff;
	v6 =	vadd.f32 v6, v5;
	v8 =	vadd.f32 v8, v4  }
0x60: {  	v18 =	vor.u32 v1, v7;
	v4 =	vld.idx.msk [tilespmem:v13+s19+$0x0], $0xffff;
	v12 =	vadd.f32 v12, v10  }
0x61: {  	v7 =	vmov s9;
	s10 =	sadd.s32 $0x1, s9;
	s11 =	sadd.s32 $0x2, s9;
	s12 =	sadd.s32 $0x3, s9;
	v5 =	vld.idx.msk [tilespmem:v16+s18+$0x0], $0xffff;
	v14 =	vadd.f32 v9, v6;
	v15 =	vadd.f32 v11, v8  }
.Ltmp0:
0x62: {  	v10 =	vmov s12;
	v9 =	vmov s10;
	v6 =	vmov s11;
	v8 =	vld.idx.msk [tilespmem:v16+s19+$0x0], $0xffff;
	(pc) =	sbr.rel @p0 .LBB2_3-.Ltmp0, $4  }
0x63: {  	v7 =	vand.u32 $0x3C, v7;
	v13 =	vand.u32 $0x3F, v10;
	v11 =	vand.u32 $0x3E, v6;
	v6 =	vld.idx.msk [tilespmem:v2+s18+$0x0], $0xffff  }
0x64: {  	v17 =	vbroadcast v7, $0x0;
	v7 =	vand.u32 $0x3D, v9;
	v11 =	vbroadcast v11, $0x0;
	v10 =	vld.idx.msk [tilespmem:v2+s19+$0x0], $0xffff  }
0x65: {  	v16 =	vbroadcast v7, $0x0;
	v7 =	vbroadcast v13, $0x0;
	v9 =	vld.idx.msk [tilespmem:v18+s18+$0x0], $0xffff  }
0x66: {  	s9 =	sadd.s32 $0x4, s9;
	v13 =	vor.u32 v1, v17;
	v2 =	vor.u32 v1, v11;
	v17 =	vmul.f32 v4, v3;
	v11 =	vld.idx.msk [tilespmem:v18+s19+$0x0], $0xffff  }
0x67: {  	_ =	sdelay $0x1  }
0x68: {  	v16 =	vor.u32 v1, v16;
	_ =	sdelay $0x1  }
0x69: {  	v3 =	vmul.f32 v3, v3;
	v4 =	vmul.f32 v4, v4;
	v41 =	vld.idx.msk [tilespmem:v13+s18+$0x0], $0xffff  }
0x6a: {  	v38 =	vmul.f32 v8, v5;
	v39 =	vmul.f32 v5, v5;
	v43 =	vld.idx.msk [tilespmem:v13+s19+$0x0], $0xffff;
	v12 =	vadd.f32 v17, v12  }
0x6b: {  	v40 =	vmul.f32 v8, v8;
	v1 =	vor.u32 v1, v7;
	v51 =	vld.idx.msk [tilespmem:v2+s18+$0x0], $0xffff;
	v3 =	vadd.f32 v3, v14  }
0x6c: {  	v4 =	vadd.f32 v4, v15;
	v42 =	vmul.f32 v10, v6;
	v12 =	vadd.f32 v38, v12;
	v45 =	vld.idx.msk [tilespmem:v16+s18+$0x0], $0xffff  }
0x6d: {  	v44 =	vmul.f32 v6, v6;
	v46 =	vmul.f32 v10, v10;
	v3 =	vadd.f32 v39, v3;
	v48 =	vld.idx.msk [tilespmem:v16+s19+$0x0], $0xffff  }
0x6e: {  	v2 =	vld.idx.msk [tilespmem:v2+s19+$0x0], $0xffff;
	v4 =	vadd.f32 v40, v4;
	v49 =	vmul.f32 v11, v9;
	v47 =	vadd.f32 v42, v12  }
0x6f: {  	v50 =	vmul.f32 v9, v9;
	v52 =	vmul.f32 v11, v11;
	v3 =	vadd.f32 v44, v3  }
0x70: {  	v53 =	vld.idx.msk [tilespmem:v1+s18+$0x0], $0xffff;
	v54 =	vmul.f32 v43, v41;
	v4 =	vadd.f32 v46, v4;
	v8 =	vadd.f32 v49, v47  }
0x71: {  	v1 =	vld.idx.msk [tilespmem:v1+s19+$0x0], $0xffff;
	v55 =	vmul.f32 v41, v41;
	v56 =	vmul.f32 v43, v43;
	v3 =	vadd.f32 v50, v3  }
0x72: {  	v4 =	vadd.f32 v52, v4;
	v8 =	vadd.f32 v54, v8;
	v57 =	vmul.f32 v48, v45  }
0x73: {  	v59 =	vmul.f32 v2, v51;
	v5 =	vmul.f32 v45, v45;
	v3 =	vadd.f32 v55, v3  }
0x74: {  	v4 =	vadd.f32 v56, v4;
	v58 =	vmul.f32 v48, v48;
	v8 =	vadd.f32 v57, v8  }
0x75: {  	v6 =	vmul.f32 v51, v51;
	v2 =	vmul.f32 v2, v2;
	v3 =	vadd.f32 v5, v3  }
0x76: {  	s7 =	sadd.s32 $0x1, s7;
	v61 =	vmul.f32 v1, v53;
	v4 =	vadd.f32 v58, v4;
	v60 =	vadd.f32 v59, v8  }
0x77: {  	p0 =	sne.s32 s7, $0x20;
	v62 =	vmul.f32 v53, v53;
	v3 =	vadd.f32 v6, v3  }
.Ltmp1:
0x78: {  	v1 =	vmul.f32 v1, v1;
	v2 =	vadd.f32 v2, v4;
	v63 =	vadd.f32 v61, v60;
	(pc) =	sbr.rel @p0 .LBB2_2-.Ltmp1, $4  }
0x79: {  	v3 =	vadd.f32 v62, v3  }
0x7a: {  	v1 =	vadd.f32 v1, v2;
	[tilespmem:s8+$0x10400] =	vst v63  }
0x7b: {  	[tilespmem:s8+$0x10600] =	vst v3  }
0x7c: {  	[tilespmem:s8+$0x10800] =	vst v1  }
0x7d: {  	s7 =	simm.s32 $0x0;
	s8 =	rddreg [dreg:$0x8]  }
0x7e: {  	[hbm4b:s8+s7] =	stream.linear.scatter [tilespmem:s2], [sflag:$0x2], $0x200, $0x38;
	[tilespmem:$0x10A00] =	vst v63  }
0x7f: {  	_ =	swait.ge [sflag:s15], $0x200  }
0x80: {  	[sflag:s15] =	ssyncset.done $0x0  }
0x81: {  	s9 =	simm.s32 $0x10600;
	s12 =	rddreg [dreg:$0x9];
	[sflag:s15] =	ssyncadd.s32 $0xFFFFFE00  }
0x82: {  	[hbm4b:s12+s7] =	stream.linear.scatter [tilespmem:s9], [sflag:$0x2], $0x200, $0x38;
	[tilespmem:$0x10A00] =	vst v63  }
0x83: {  	_ =	swait.ge [sflag:s15], $0x200  }
0x84: {  	[sflag:s15] =	ssyncset.done $0x0  }
0x85: {  	s10 =	simm.s32 $0x10800;
	s9 =	rddreg [dreg:$0xa];
	[sflag:s15] =	ssyncadd.s32 $0xFFFFFE00  }
0x86: {  	[hbm4b:s9+s7] =	stream.linear.scatter [tilespmem:s10], [sflag:$0x2], $0x200, $0x38;
	[tilespmem:$0x10A00] =	vst v63  }
0x87: {  	_ =	swait.ge [sflag:s15], $0x200  }
0x88: {  	[sflag:s15] =	ssyncset.done $0x0  }
0x89: {  	s11 =	rddreg [dreg:$0xb];
	[sflag:s15] =	ssyncadd.s32 $0xFFFFFE00  }
0x8a: {  	[tilespmem:s7], [sflag:$0x2] =	stream.linear.gather [hbm4b:s11+s7], $0x200, $0x38;
	[tilespmem:$0x10A00] =	vst v63  }
0x8b: {  	_ =	swait.ge [sflag:s15], $0x200  }
0x8c: {  	[sflag:s15] =	ssyncset.done $0x0  }
0x8d: {  	s12 =	rddreg [dreg:$0xc];
	[sflag:s15] =	ssyncadd.s32 $0xFFFFFE00  }
0x8e: {  	[tilespmem:s16], [sflag:$0x2] =	stream.linear.gather [hbm4b:s12+s7], $0x200, $0x38;
	[tilespmem:$0x10A00] =	vst v63  }
0x8f: {  	_ =	swait.ge [sflag:s15], $0x200  }
0x90: {  	[sflag:s15] =	ssyncset.done $0x0  }
0x91: {  	[sflag:s15] =	ssyncadd.s32 $0xFFFFFE00  }
0x92: {  	[tilespmem:s18], [sflag:$0x1] =	stream.indirect.gather [hbm4b:s3+s17], $0x40, s7, s17, $0xb8;
	[tilespmem:$0x10A00] =	vst v63  }
0x93: {  	_ = 	snop  }
0x94: {  	[tilespmem:s19], [sflag:$0x1] =	stream.indirect.gather [hbm4b:s5+s17], $0x40, s16, s17, $0xb8;
	[tilespmem:$0x10A00] =	vst v63  }
0x95: {  	_ = 	snop  }
0x96: {  	[tilespmem:s20], [sflag:$0x1] =	stream.indirect.gather [hbm4b:s3+s17], $0x40, s17, s17, $0xb8;
	[tilespmem:$0x10A00] =	vst v63  }
0x97: {  	_ = 	snop  }
0x98: {  	[tilespmem:s22], [sflag:$0x1] =	stream.indirect.gather [hbm4b:s5+s17], $0x40, s21, s17, $0xb8;
	[tilespmem:$0x10A00] =	vst v63  }
0x99: {  	_ = 	snop  }
0x9a: {  	[tilespmem:s24], [sflag:$0x1] =	stream.indirect.gather [hbm4b:s3+s17], $0x40, s23, s17, $0xb8;
	[tilespmem:$0x10A00] =	vst v63  }
0x9b: {  	_ = 	snop  }
0x9c: {  	[tilespmem:s26], [sflag:$0x1] =	stream.indirect.gather [hbm4b:s5+s17], $0x40, s25, s17, $0xb8;
	[tilespmem:$0x10A00] =	vst v63  }
0x9d: {  	_ = 	snop  }
0x9e: {  	[tilespmem:s29], [sflag:$0x1] =	stream.indirect.gather [hbm4b:s3+s17], $0x40, s28, s17, $0xb8;
	[tilespmem:$0x10A00] =	vst v63  }
0x9f: {  	_ = 	snop  }
0xa0: {  	[tilespmem:s31], [sflag:$0x1] =	stream.indirect.gather [hbm4b:s5+s17], $0x40, s30, s17, $0xb8;
	[tilespmem:$0x10A00] =	vst v63  }
0xa1: {  	_ =	swait.ge [sflag:s0], $0x2000  }
0xa2: {  	[sflag:s0] =	ssyncset.done $0x0  }
0xa3: {  	[sflag:s0] =	ssyncadd.s32 $0xFFFFE000  }
0xa4: {  	_ =	swait.ge [sflag:s0], $0x2000  }
0xa5: {  	[sflag:s0] =	ssyncset.done $0x0  }
0xa6: {  	[sflag:s0] =	ssyncadd.s32 $0xFFFFE000  }
0xa7: {  	_ =	swait.ge [sflag:s0], $0x2000  }
0xa8: {  	[sflag:s0] =	ssyncset.done $0x0  }
0xa9: {  	[sflag:s0] =	ssyncadd.s32 $0xFFFFE000  }
0xaa: {  	_ =	swait.ge [sflag:s0], $0x2000  }
0xab: {  	[sflag:s0] =	ssyncset.done $0x0  }
0xac: {  	[sflag:s0] =	ssyncadd.s32 $0xFFFFE000  }
0xad: {  	_ =	swait.ge [sflag:s0], $0x2000  }
0xae: {  	[sflag:s0] =	ssyncset.done $0x0  }
0xaf: {  	[sflag:s0] =	ssyncadd.s32 $0xFFFFE000  }
0xb0: {  	_ =	swait.ge [sflag:s0], $0x2000  }
0xb1: {  	[sflag:s0] =	ssyncset.done $0x0  }
0xb2: {  	[sflag:s0] =	ssyncadd.s32 $0xFFFFE000  }
0xb3: {  	_ =	swait.ge [sflag:s0], $0x2000  }
0xb4: {  	[sflag:s0] =	ssyncset.done $0x0  }
0xb5: {  	[sflag:s0] =	ssyncadd.s32 $0xFFFFE000  }
0xb6: {  	_ =	swait.ge [sflag:s0], $0x2000  }
0xb7: {  	[sflag:s0] =	ssyncset.done $0x0  }
0xb8: {  	s8 =	simm.s32 $0x0;
	[sflag:s0] =	ssyncadd.s32 $0xFFFFE000  }
.LBB2_6:
0xb9: {  	s9 =	sshll.u32 s8, $0x4;
	v1 =	vmov s7  }
0xba: {  	s10 =	simm.s32 $0x1;
	v2 =	vmov s9;
	v1 =	vand.u32 $0x3C, v1  }
0xbb: {  	v3 =	vmov s10;
	v2 =	vshll.u32 v2, $0x6;
	v4 =	vbroadcast v1, $0x0  }
0xbc: {  	s11 =	simm.s32 $0x2;
	v1 =	vor.u32 v0, v2;
	v2 =	vand.u32 $0x3D, v3  }
0xbd: {  	v3 =	vmov s11;
	v2 =	vbroadcast v2, $0x0;
	v4 =	vor.u32 v1, v4  }
0xbe: {  	s12 =	simm.s32 $0x3;
	v3 =	vand.u32 $0x3E, v3  }
0xbf: {  	v5 =	vmov s12;
	v3 =	vbroadcast v3, $0x0;
	v6 =	vor.u32 v1, v2  }
0xc0: {  	s11 =	simm.s32 $0x4;
	v2 =	vand.u32 $0x3F, v5  }
0xc1: {  	v5 =	vmov s11;
	v2 =	vbroadcast v2, $0x0;
	v7 =	vor.u32 v1, v3  }
0xc2: {  	s12 =	simm.s32 $0x5;
	v3 =	vand.u32 $0x3C, v5;
	v8 =	vld.idx.msk [tilespmem:v4+s18+$0x0], $0xffff  }
0xc3: {  	v3 =	vbroadcast v3, $0x0;
	v11 =	vld.idx.msk [tilespmem:v4+s19+$0x0], $0xffff;
	v13 =	vor.u32 v1, v2;
	v4 =	vmov s12  }
0xc4: {  	s11 =	simm.s32 $0x6;
	v4 =	vand.u32 $0x3D, v4;
	v2 =	vld.idx.msk [tilespmem:v6+s18+$0x0], $0xffff  }
0xc5: {  	s10 =	simm.s32 $0x8;
	v9 =	vmov s11;
	s11 =	simm.s32 $0x7;
	v5 =	vor.u32 v1, v3;
	v6 =	vld.idx.msk [tilespmem:v6+s19+$0x0], $0xffff;
	v4 =	vbroadcast v4, $0x0  }
0xc6: {  	v14 =	vmov s10;
	v9 =	vand.u32 $0x3E, v9;
	v10 =	vmov s11;
	v3 =	vld.idx.msk [tilespmem:v7+s18+$0x0], $0xffff  }
0xc7: {  	v15 =	vbroadcast v9, $0x0;
	v16 =	vand.u32 $0x3F, v10;
	s12 =	simm.s32 $0x9;
	v10 =	vld.idx.msk [tilespmem:v7+s19+$0x0], $0xffff;
	v9 =	vor.u32 v1, v4  }
0xc8: {  	v12 =	vimm.f32 $0.0e+00;
	v18 =	vand.u32 $0x3C, v14;
	v19 =	vmov s12;
	v4 =	vld.idx.msk [tilespmem:v13+s18+$0x0], $0xffff  }
0xc9: {  	v14 =	vbroadcast v16, $0x0;
	s12 =	simm.s32 $0xA;
	v7 =	vor.u32 v1, v15;
	v17 =	vmul.f32 v11, v8;
	v11 =	vld.idx.msk [tilespmem:v13+s19+$0x0], $0xffff  }
0xca: {  	s11 =	simm.s32 $0xC;
	v16 =	vand.u32 $0x3D, v19;
	v15 =	vmov s12;
	v13 =	vbroadcast v18, $0x0;
	v8 =	vld.idx.msk [tilespmem:v5+s18+$0x0], $0xffff  }
.LBB2_7:
0xcb: {  	p0 =	sne.s32 s11, $0x3C;
	s12 =	sadd.s32 $0x3, s10;
	v18 =	vld.idx.msk [tilespmem:v5+s19+$0x0], $0xffff;
	v19 =	vor.u32 v1, v14;
	v12 =	vadd.f32 v17, v12;
	v14 =	vmul.f32 v6, v2;
	s10 =	smov.u32 s11  }
0xcc: {  	v16 =	vbroadcast v16, $0x0;
	v15 =	vand.u32 $0x3E, v15;
	v17 =	vmov s12;
	v2 =	vld.idx.msk [tilespmem:v9+s18+$0x0], $0xffff  }
0xcd: {  	v5 =	vor.u32 v1, v13;
	v13 =	vmul.f32 v10, v3;
	v6 =	vld.idx.msk [tilespmem:v9+s19+$0x0], $0xffff;
	v12 =	vadd.f32 v14, v12  }
.Ltmp2:
0xce: {  	v15 =	vbroadcast v15, $0x0;
	v14 =	vmov s11;
	v17 =	vand.u32 $0x3F, v17;
	v3 =	vld.idx.msk [tilespmem:v7+s18+$0x0], $0xffff;
	(pc) =	sbr.rel @p0 .LBB2_7-.Ltmp2, $4  }
0xcf: {  	s12 =	sadd.s32 $0x1, s11;
	v9 =	vor.u32 v1, v16;
	v10 =	vld.idx.msk [tilespmem:v7+s19+$0x0], $0xffff;
	v12 =	vadd.f32 v13, v12;
	v13 =	vmul.f32 v11, v4  }
0xd0: {  	v20 =	vmov s12;
	v16 =	vand.u32 $0x3C, v14;
	v14 =	vbroadcast v17, $0x0;
	v4 =	vld.idx.msk [tilespmem:v19+s18+$0x0], $0xffff  }
0xd1: {  	s12 =	sadd.s32 $0x2, s11;
	v7 =	vor.u32 v1, v15;
	v17 =	vmul.f32 v18, v8;
	v11 =	vld.idx.msk [tilespmem:v19+s19+$0x0], $0xffff;
	v12 =	vadd.f32 v13, v12  }
0xd2: {  	s11 =	sadd.s32 $0x4, s11;
	v15 =	vmov s12;
	v13 =	vbroadcast v16, $0x0;
	v16 =	vand.u32 $0x3D, v20;
	v8 =	vld.idx.msk [tilespmem:v5+s18+$0x0], $0xffff  }
0xd3: {  	_ =	sdelay $0x2  }
0xd4: {  	v12 =	vadd.f32 v17, v12;
	v2 =	vmul.f32 v6, v2  }
0xd5: {  	v5 =	vld.idx.msk [tilespmem:v5+s19+$0x0], $0xffff;
	v44 =	vor.u32 v1, v14  }
0xd6: {  	v45 =	vld.idx.msk [tilespmem:v9+s18+$0x0], $0xffff;
	v3 =	vmul.f32 v10, v3;
	v2 =	vadd.f32 v2, v12  }
0xd7: {  	v46 =	vbroadcast v16, $0x0;
	v48 =	vld.idx.msk [tilespmem:v9+s19+$0x0], $0xffff;
	v47 =	vor.u32 v1, v13  }
0xd8: {  	s10 =	sadd.s32 $0x3, s10;
	v49 =	vand.u32 $0x3E, v15;
	v50 =	vld.idx.msk [tilespmem:v7+s18+$0x0], $0xffff;
	v2 =	vadd.f32 v3, v2;
	v3 =	vmul.f32 v11, v4  }
0xd9: {  	v53 =	vld.idx.msk [tilespmem:v7+s19+$0x0], $0xffff;
	v51 =	vmov s10;
	v52 =	vbroadcast v49, $0x0;
	v10 =	vor.u32 v1, v46  }
0xda: {  	v4 =	vand.u32 $0x3F, v51;
	v54 =	vld.idx.msk [tilespmem:v44+s18+$0x0], $0xffff;
	v5 =	vmul.f32 v5, v8;
	v2 =	vadd.f32 v3, v2  }
0xdb: {  	v55 =	vor.u32 v1, v52;
	v6 =	vld.idx.msk [tilespmem:v44+s19+$0x0], $0xffff;
	v3 =	vbroadcast v4, $0x0  }
0xdc: {  	v57 =	vmul.f32 v48, v45;
	v56 =	vld.idx.msk [tilespmem:v47+s18+$0x0], $0xffff;
	v2 =	vadd.f32 v5, v2  }
0xdd: {  	v58 =	vld.idx.msk [tilespmem:v47+s19+$0x0], $0xffff;
	v1 =	vor.u32 v1, v3  }
0xde: {  	v59 =	vmul.f32 v53, v50;
	v60 =	vld.idx.msk [tilespmem:v10+s19+$0x0], $0xffff;
	v2 =	vadd.f32 v57, v2  }
0xdf: {  	v3 =	vld.idx.msk [tilespmem:v10+s18+$0x0], $0xffff  }
0xe0: {  	v61 =	vld.idx.msk [tilespmem:v55+s18+$0x0], $0xffff;
	v62 =	vmul.f32 v6, v54;
	v2 =	vadd.f32 v59, v2  }
0xe1: {  	v4 =	vld.idx.msk [tilespmem:v55+s19+$0x0], $0xffff  }
0xe2: {  	v8 =	vmul.f32 v58, v56;
	v63 =	vld.idx.msk [tilespmem:v1+s18+$0x0], $0xffff;
	v2 =	vadd.f32 v62, v2  }
0xe3: {  	v1 =	vld.idx.msk [tilespmem:v1+s19+$0x0], $0xffff  }
0xe4: {  	v3 =	vmul.f32 v60, v3;
	v2 =	vadd.f32 v8, v2;
	_ =	sdelay $0x1  }
0xe5: {  	s8 =	sadd.s32 $0x1, s8;
	v2 =	vadd.f32 v3, v2;
	v3 =	vmul.f32 v4, v61  }
0xe6: {  	p0 =	sne.s32 s8, $0x20  }
.Ltmp3:
0xe7: {  	v1 =	vmul.f32 v1, v63;
	v2 =	vadd.f32 v3, v2;
	(pc) =	sbr.rel @p0 .LBB2_6-.Ltmp3, $3  }
0xe8: {  	_ = 	snop  }
0xe9: {  	v1 =	vadd.f32 v1, v2;
	_ =	sdelay $0x1  }
0xea: {  	[tilespmem:s9+$0x10400] =	vst v1  }
0xeb: {  	s6 =	sadd.s32 $0x1, s6  }
0xec: {  	p0 =	sne.s32 s6, s14  }
.Ltmp4:
0xed: {  	_ = 	snop;
	(pc) =	sbr.rel @p0 .LBB2_1-.Ltmp4, $4  }
0xee: {  	[hbm4b:s13+s1] =	stream.linear.scatter [tilespmem:s2], [sflag:$0x2], $0x200, $0x38;
	[tilespmem:$0x10A00] =	vst v63  }
0xef: {  	_ =	swait.ge [sflag:s15], $0x200  }
0xf0: {  	[sflag:s15] =	ssyncset.done $0x0  }
0xf1: {  	[sflag:s15] =	ssyncadd.s32 $0xFFFFFE00  }
0xf2: {  	_ =	sfence.sel $0x180000  }
0xf3: {  	[bflag:$0x0] =	sbarrier.arrive $0xFFFF  }
0xf4: {  	_ =	strace $0x90000047  }
0xf5: {  	s0 =	stileid.u32;
	[bflag:$0x2] =	sbarrier.arrive $0xFFFF  }
0xf6: {  	p0 =	sne.s32 s0, $0x0;
	s0 =	rddreg [dreg:$0x5]  }
0xf7: {  	s0 =	sadd.s32 @!p0 $0x100000, s0  }
0xf8: {  	[sflag:s0] =	ssyncadd.tile.s32 @!p0 $0x1;
	_ =	shalt  }
.Lfunc_end2:
_tile_overlayer_lowered:
.L_overlay_start_2:
0xf9: {  	(tag) =	ssettag $0x2  }
0xfa: {  	s0 =	rddreg [dreg:$0x0];
	s2 =	stileid.u32  }
0xfb: {  	s1 =	rddreg [dreg:$0x1];
	p0 =	sne.s32 s2, $0x0  }
0xfc: {  	s3 =	rddreg [dreg:$0x2];
	[bflag:$0x3] =	sbarrier.arrive $0xFFFF;
	s2 =	simm.s32 @!p0 $0x1C02  }
0xfd: {  	[timem:s3], [sflag:s2] =	dma.local @!p0 [hbm:s0], s1  }
0xfe: {  	s0 =	simm.s32 @!p0 $0x2  }
0xff: {  	_ =	swait.ge @!p0 [sflag:s0], s1  }
0x100: {  	s1 =	ssub.s32 @!p0 $0x0, s1;
	[sflag:s0] =	ssyncset.done @!p0 $0x0  }
0x101: {  	[sflag:s0] =	ssyncadd.s32 @!p0 s1  }
0x102: {  	[bflag:$0x3] =	sbarrier.arrive $0xFFFF  }
0x103: {  	_ =	shalt  }

</sc_bundles>
